<compile_context>
chip_gen: v7x
topology: tpu7x:2x2x1
jax: 0.10.2.dev20260603
libtpu: 0.0.44.dev20260713+nightly
codegen_flags: <defaults>
</compile_context>

<pallas_src>
import functools

import jax
import jax.numpy as jnp
from jax import lax
from jax.experimental import pallas as pl
from jax.experimental.pallas import tpu as pltpu
from jax.experimental.pallas import tpu_sc as plsc

_N = 32768
_LANES = 16
_VREGS = _N // _LANES

_SC_ITERS = 8



def _sc_body(x_hbm, o_hbm, row_v, red_v, sem):
    core = lax.axis_index("c")
    sub = lax.axis_index("s")
    wid = sub * 2 + core
    rows = x_hbm.shape[0]
    rows_per = rows // 32

    def lanes_fold(vec, init, op):
        acc = init
        for i in range(_LANES):
            acc = op(acc, vec[i])
        return acc

    U = 8
    steps = _VREGS // U

    def do_row(r, carry):
        row = wid * rows_per + r
        pltpu.sync_copy(x_hbm.at[row], row_v)

        def maxbody(i, accs):
            base = i * _LANES * U
            return tuple(
                jnp.maximum(accs[u], row_v[pl.ds(base + u * _LANES, _LANES)])
                for u in range(U))

        neg = jnp.full((_LANES,), -jnp.inf, jnp.float32)
        maxs = lax.fori_loop(0, steps, maxbody, (neg,) * U)
        m16 = functools.reduce(jnp.maximum, maxs)
        m = lanes_fold(m16, jnp.float32(-jnp.inf), jnp.maximum)
        tau0 = jnp.full((_LANES,), m, jnp.float32) - 1.0

        def michelot(_, tau):
            def sumbody(i, carry):
                ss, cs = carry
                base = i * _LANES * U
                ss2, cs2 = [], []
                for u in range(U):
                    d = row_v[pl.ds(base + u * _LANES, _LANES)] - tau
                    ss2.append(ss[u] + jnp.maximum(d, 0.0))
                    cs2.append(cs[u] + jnp.where(d > 0.0, 1.0, 0.0))
                return tuple(ss2), tuple(cs2)

            z = jnp.zeros((_LANES,), jnp.float32)
            ss, cs = lax.fori_loop(0, steps, sumbody, ((z,) * U, (z,) * U))
            s = lanes_fold(functools.reduce(jnp.add, ss), jnp.float32(0.0), jnp.add)
            c = lanes_fold(functools.reduce(jnp.add, cs), jnp.float32(0.0), jnp.add)
            s16b = jnp.full((_LANES,), s - 1.0, jnp.float32)
            c16b = jnp.full((_LANES,), jnp.maximum(c, 1.0), jnp.float32)
            return tau + s16b / c16b

        tau = lax.fori_loop(0, _SC_ITERS, michelot, tau0)

        def outbody(i, _):
            base = i * _LANES * U
            for u in range(U):
                sl = pl.ds(base + u * _LANES, _LANES)
                row_v[sl] = jnp.maximum(row_v[sl] - tau, 0.0)
            return 0

        lax.fori_loop(0, steps, outbody, 0)
        pltpu.sync_copy(row_v, o_hbm.at[row])
        return carry

    lax.fori_loop(0, rows_per, do_row, 0)


def _sc_sparsemax(x):
    rows = x.shape[0]
    return pl.kernel(
        _sc_body,
        out_type=jax.ShapeDtypeStruct((rows, _N), jnp.float32),
        mesh=plsc.VectorSubcoreMesh(
            core_axis_name="c", subcore_axis_name="s",
            num_cores=2, num_subcores=16),
        scratch_types=[
            pltpu.VMEM((_N,), jnp.float32),
            pltpu.VMEM((_LANES,), jnp.float32),
            pltpu.SemaphoreType.DMA,
        ],
    )(x)



_ROWS_PER_BLOCK = 64
_MAX_ITERS = 16


def _tc_block(x_ref, o_ref):
    m = jnp.max(x_ref[...], axis=-1, keepdims=True)
    tau0 = m - 1.0

    def cond(carry):
        it, tau, prev = carry
        return jnp.logical_and(it < _MAX_ITERS, jnp.any(tau != prev))

    def body(carry):
        it, tau, _ = carry
        d = x_ref[...] - tau
        s = jnp.sum(jnp.maximum(d, 0.0), axis=-1, keepdims=True)
        c = jnp.sum((d > 0.0).astype(jnp.float32), axis=-1, keepdims=True)
        new = tau + (s - 1.0) / jnp.maximum(c, 1.0)
        return it + 1, new, tau

    _, tau, _ = lax.while_loop(cond, body, (0, tau0, tau0 - 1.0))
    o_ref[...] = jnp.maximum(x_ref[...] - tau, 0.0)


def _tc_sparsemax(x):
    rows, n = x.shape
    r = next(b for b in (64, 48, 32, 16, 8, rows) if rows % b == 0)
    return pl.pallas_call(
        _tc_block,
        out_shape=jax.ShapeDtypeStruct(x.shape, x.dtype),
        grid=(rows // r,),
        in_specs=[pl.BlockSpec((r, n), lambda i: (i, 0))],
        out_specs=pl.BlockSpec((r, n), lambda i: (i, 0)),
        compiler_params=pltpu.CompilerParams(
            dimension_semantics=("parallel",),
        ),
    )(x)


_SC_SHARE = 32


def kernel(x):
    rows = x.shape[0]
    k = _SC_SHARE
    if not (0 < k < rows and k % 32 == 0):
        return _tc_sparsemax(x)
    tc = _tc_sparsemax(x[: rows - k])
    sc = _sc_sparsemax(x[rows - k:])
    return jnp.concatenate([tc, sc], axis=0)

# --- scband reference (transcript-rebuilt; emitter-appended) ---
"""Pipeline reference for scband-sparsemax-32280974196762 (READ-ONLY COPY).

The authoritative reference and input builder live on the scoring server;
editing this copy changes nothing except your own understanding.
"""

import jax, jax.numpy as jnp
import numpy as np

def setup_inputs(seed: int = 0) -> dict:
    key = jax.random.key(seed)
    x = jax.random.normal(key, (128, 32768), dtype=jnp.float32)
    return {"x": x}

def reference(x):
    # Sparsemax along last dim (dim=-1), faithful to the torch implementation
    number_of_logits = x.shape[-1]
    x = x - jnp.max(x, axis=-1, keepdims=True)
    # descending sort
    zs = jnp.flip(jnp.sort(x, axis=-1), axis=-1)
    num_list = jnp.arange(1, number_of_logits + 1, dtype=jnp.float32)
    view_shape = [1] * (x.ndim - 1) + [-1]
    num_list = num_list.reshape(view_shape)
    bound = 1.0 + num_list * zs
    cumulative_sum_zs = jnp.cumsum(zs, axis=-1)
    is_gt = (bound > cumulative_sum_zs).astype(jnp.float32)
    k = jnp.max(is_gt * num_list, axis=-1, keepdims=True)
    zs_sparse = is_gt * zs
    taus = (jnp.sum(zs_sparse, axis=-1, keepdims=True) - 1.0) / k
    output = jnp.maximum(jnp.zeros_like(x), x - taus)
    return output

if __name__ == "__main__":
    import jax
    _d = setup_inputs()
    print(jax.jit(kernel)(*tuple(_d.values())))

</pallas_src>

<mosaic_0001>
#map = affine_map<(d0, d1) -> (0, 0)>
module attributes {stable_mosaic.version = 14 : i64} {
  func.func @_sc_body(%arg0: i32, %arg1: i32, %arg2: memref<32x32768xf32, #tpu.memory_space<hbm>>, %arg3: memref<32x32768xf32, #tpu.memory_space<hbm>>, %arg4: memref<32768xf32, #tpu.memory_space<vmem>>, %arg5: memref<16xf32, #tpu.memory_space<vmem>>, %arg6: memref<!tpu.dma_semaphore, #tpu.memory_space<semaphore_mem>>) attributes {dimension_semantics = [#tpu.dimension_semantics<core_parallel>, #tpu.dimension_semantics<subcore_parallel>], iteration_bounds = array<i64: 2, 16>, scalar_prefetch = 0 : i64, scratch_operands = 3 : i64, tpu.core_type = #tpu.core_type<sc_vector_subcore>, window_params = [{transform_indices = #map}, {transform_indices = #map}]} {
    %mul3A = arith.constant 2 : i32
    %mul3A_0 = arith.muli %arg1, %mul3A : i32
    %add3A = arith.addi %mul3A_0, %arg0 : i32
    %scan3A = arith.constant 0 : i32
    %scan3A_1 = arith.constant 0 : i32
    %mul3A_2 = arith.constant 1 : i32
    %mul3A_3 = arith.muli %add3A, %mul3A_2 : i32
    %add3A_4 = arith.addi %mul3A_3, %scan3A_1 : i32
    "tpu.region"() ({
      %run_scoped3A = tpu.sem_alloc : memref<!tpu.dma_semaphore, #tpu.memory_space<semaphore_mem>>
      %dma_start3A = arith.constant 0 : i32
      %dma_start3A_82 = tpu.memref_slice %arg2[%add3A_4, %dma_start3A] : memref<32x32768xf32, #tpu.memory_space<hbm>> -> memref<1x32768xf32, #tpu.memory_space<hbm>>
      %dma_start3A_83 = tpu.memref_squeeze %dma_start3A_82 : memref<1x32768xf32, #tpu.memory_space<hbm>> -> memref<32768xf32, #tpu.memory_space<hbm>>
      %dma_start3A_84 = arith.constant 0 : i32
      %dma_start3A_85 = tpu.memref_slice %arg2[%add3A_4, %dma_start3A_84] : memref<32x32768xf32, #tpu.memory_space<hbm>> -> memref<1x32768xf32, #tpu.memory_space<hbm>>
      %dma_start3A_86 = tpu.memref_squeeze %dma_start3A_85 : memref<1x32768xf32, #tpu.memory_space<hbm>> -> memref<32768xf32, #tpu.memory_space<hbm>>
      tpu.enqueue_dma source(%dma_start3A_86 : memref<32768xf32, #tpu.memory_space<hbm>>) target(%arg4 : memref<32768xf32, #tpu.memory_space<vmem>>) target_semaphore(%run_scoped3A : memref<!tpu.dma_semaphore, #tpu.memory_space<semaphore_mem>>)
      %dma_wait3A = arith.constant 0 : i32
      %dma_wait3A_87 = tpu.memref_slice %arg2[%add3A_4, %dma_wait3A] : memref<32x32768xf32, #tpu.memory_space<hbm>> -> memref<1x32768xf32, #tpu.memory_space<hbm>>
      %dma_wait3A_88 = tpu.memref_squeeze %dma_wait3A_87 : memref<1x32768xf32, #tpu.memory_space<hbm>> -> memref<32768xf32, #tpu.memory_space<hbm>>
      %dma_wait3A_89 = arith.constant 0 : i32
      %dma_wait3A_90 = tpu.memref_slice %arg2[%add3A_4, %dma_wait3A_89] : memref<32x32768xf32, #tpu.memory_space<hbm>> -> memref<1x32768xf32, #tpu.memory_space<hbm>>
      %dma_wait3A_91 = tpu.memref_squeeze %dma_wait3A_90 : memref<1x32768xf32, #tpu.memory_space<hbm>> -> memref<32768xf32, #tpu.memory_space<hbm>>
      tpu.wait_dma2 semaphore(%run_scoped3A : memref<!tpu.dma_semaphore, #tpu.memory_space<semaphore_mem>>) src(%dma_wait3A_91 : memref<32768xf32, #tpu.memory_space<hbm>>) dst(%arg4 : memref<32768xf32, #tpu.memory_space<vmem>>)
      tpu.yield
    }) : () -> ()
    %broadcast_in_dim3A = arith.constant 0xFF800000 : f32
    %broadcast_in_dim3A_5 = vector.broadcast %broadcast_in_dim3A : f32 to vector<16xf32>
    %scan3A_6 = arith.constant 0 : i32
    %scan3A_7 = arith.constant 256 : i32
    %scan3A_8 = arith.addi %scan3A_6, %scan3A_7 : i32
    %scan3A_9 = arith.constant 1 : i32
    %scan3A_10:8 = scf.for %scan3A_82 = %scan3A_6 to %scan3A_8 step %scan3A_9 iter_args(%scan3A_83 = %broadcast_in_dim3A_5, %scan3A_84 = %broadcast_in_dim3A_5, %scan3A_85 = %broadcast_in_dim3A_5, %scan3A_86 = %broadcast_in_dim3A_5, %scan3A_87 = %broadcast_in_dim3A_5, %scan3A_88 = %broadcast_in_dim3A_5, %scan3A_89 = %broadcast_in_dim3A_5, %scan3A_90 = %broadcast_in_dim3A_5) -> (vector<16xf32>, vector<16xf32>, vector<16xf32>, vector<16xf32>, vector<16xf32>, vector<16xf32>, vector<16xf32>, vector<16xf32>)  : i32 {
      %mul3A_91 = arith.constant 16 : i32
      %mul3A_92 = arith.muli %scan3A_82, %mul3A_91 : i32
      %mul3A_93 = arith.constant 8 : i32
      %mul3A_94 = arith.muli %mul3A_92, %mul3A_93 : i32
      %add3A_95 = arith.constant 0 : i32
      %add3A_96 = arith.addi %mul3A_94, %add3A_95 : i32
      %get3A = arith.index_cast %add3A_96 : i32 to index
      %get3A_97 = tpu.vector_load %arg4[%get3A] {strides = array<i32>} : memref<32768xf32, #tpu.memory_space<vmem>>, vector<16xf32>,
      %get3A_98 = vector.shape_cast %get3A_97 : vector<16xf32> to vector<16xf32>
      %max3A_99 = arith.maximumf %scan3A_83, %get3A_98 : vector<16xf32>
      %add3A_100 = arith.constant 16 : i32
      %add3A_101 = arith.addi %mul3A_94, %add3A_100 : i32
      %get3A_102 = arith.index_cast %add3A_101 : i32 to index
      %get3A_103 = tpu.vector_load %arg4[%get3A_102] {strides = array<i32>} : memref<32768xf32, #tpu.memory_space<vmem>>, vector<16xf32>,
      %get3A_104 = vector.shape_cast %get3A_103 : vector<16xf32> to vector<16xf32>
      %max3A_105 = arith.maximumf %scan3A_84, %get3A_104 : vector<16xf32>
      %add3A_106 = arith.constant 32 : i32
      %add3A_107 = arith.addi %mul3A_94, %add3A_106 : i32
      %get3A_108 = arith.index_cast %add3A_107 : i32 to index
      %get3A_109 = tpu.vector_load %arg4[%get3A_108] {strides = array<i32>} : memref<32768xf32, #tpu.memory_space<vmem>>, vector<16xf32>,
      %get3A_110 = vector.shape_cast %get3A_109 : vector<16xf32> to vector<16xf32>
      %max3A_111 = arith.maximumf %scan3A_85, %get3A_110 : vector<16xf32>
      %add3A_112 = arith.constant 48 : i32
      %add3A_113 = arith.addi %mul3A_94, %add3A_112 : i32
      %get3A_114 = arith.index_cast %add3A_113 : i32 to index
      %get3A_115 = tpu.vector_load %arg4[%get3A_114] {strides = array<i32>} : memref<32768xf32, #tpu.memory_space<vmem>>, vector<16xf32>,
      %get3A_116 = vector.shape_cast %get3A_115 : vector<16xf32> to vector<16xf32>
      %max3A_117 = arith.maximumf %scan3A_86, %get3A_116 : vector<16xf32>
      %add3A_118 = arith.constant 64 : i32
      %add3A_119 = arith.addi %mul3A_94, %add3A_118 : i32
      %get3A_120 = arith.index_cast %add3A_119 : i32 to index
      %get3A_121 = tpu.vector_load %arg4[%get3A_120] {strides = array<i32>} : memref<32768xf32, #tpu.memory_space<vmem>>, vector<16xf32>,
      %get3A_122 = vector.shape_cast %get3A_121 : vector<16xf32> to vector<16xf32>
      %max3A_123 = arith.maximumf %scan3A_87, %get3A_122 : vector<16xf32>
      %add3A_124 = arith.constant 80 : i32
      %add3A_125 = arith.addi %mul3A_94, %add3A_124 : i32
      %get3A_126 = arith.index_cast %add3A_125 : i32 to index
      %get3A_127 = tpu.vector_load %arg4[%get3A_126] {strides = array<i32>} : memref<32768xf32, #tpu.memory_space<vmem>>, vector<16xf32>,
      %get3A_128 = vector.shape_cast %get3A_127 : vector<16xf32> to vector<16xf32>
      %max3A_129 = arith.maximumf %scan3A_88, %get3A_128 : vector<16xf32>
      %add3A_130 = arith.constant 96 : i32
      %add3A_131 = arith.addi %mul3A_94, %add3A_130 : i32
      %get3A_132 = arith.index_cast %add3A_131 : i32 to index
      %get3A_133 = tpu.vector_load %arg4[%get3A_132] {strides = array<i32>} : memref<32768xf32, #tpu.memory_space<vmem>>, vector<16xf32>,
      %get3A_134 = vector.shape_cast %get3A_133 : vector<16xf32> to vector<16xf32>
      %max3A_135 = arith.maximumf %scan3A_89, %get3A_134 : vector<16xf32>
      %add3A_136 = arith.constant 112 : i32
      %add3A_137 = arith.addi %mul3A_94, %add3A_136 : i32
      %get3A_138 = arith.index_cast %add3A_137 : i32 to index
      %get3A_139 = tpu.vector_load %arg4[%get3A_138] {strides = array<i32>} : memref<32768xf32, #tpu.memory_space<vmem>>, vector<16xf32>,
      %get3A_140 = vector.shape_cast %get3A_139 : vector<16xf32> to vector<16xf32>
      %max3A_141 = arith.maximumf %scan3A_90, %get3A_140 : vector<16xf32>
      scf.yield %max3A_99, %max3A_105, %max3A_111, %max3A_117, %max3A_123, %max3A_129, %max3A_135, %max3A_141 : vector<16xf32>, vector<16xf32>, vector<16xf32>, vector<16xf32>, vector<16xf32>, vector<16xf32>, vector<16xf32>, vector<16xf32>
    }
    %scan3A_11 = arith.constant 256 : i32
    %max3A = arith.maximumf %scan3A_10#0, %scan3A_10#1 : vector<16xf32>
    %max3A_12 = arith.maximumf %max3A, %scan3A_10#2 : vector<16xf32>
    %max3A_13 = arith.maximumf %max3A_12, %scan3A_10#3 : vector<16xf32>
    %max3A_14 = arith.maximumf %max3A_13, %scan3A_10#4 : vector<16xf32>
    %max3A_15 = arith.maximumf %max3A_14, %scan3A_10#5 : vector<16xf32>
    %max3A_16 = arith.maximumf %max3A_15, %scan3A_10#6 : vector<16xf32>
    %max3A_17 = arith.maximumf %max3A_16, %scan3A_10#7 : vector<16xf32>
    %slice3A = vector.extract_strided_slice %max3A_17 {offsets = [0], sizes = [1], strides = [1]} : vector<16xf32> to vector<1xf32>
    %squeeze3A = vector.extract %slice3A[0] : f32 from vector<1xf32>
    %max3A_18 = arith.constant 0xFF800000 : f32
    %max3A_19 = arith.maximumf %max3A_18, %squeeze3A : f32
    %slice3A_20 = vector.extract_strided_slice %max3A_17 {offsets = [1], sizes = [1], strides = [1]} : vector<16xf32> to vector<1xf32>
    %squeeze3A_21 = vector.extract %slice3A_20[0] : f32 from vector<1xf32>
    %max3A_22 = arith.maximumf %max3A_19, %squeeze3A_21 : f32
    %slice3A_23 = vector.extract_strided_slice %max3A_17 {offsets = [2], sizes = [1], strides = [1]} : vector<16xf32> to vector<1xf32>
    %squeeze3A_24 = vector.extract %slice3A_23[0] : f32 from vector<1xf32>
    %max3A_25 = arith.maximumf %max3A_22, %squeeze3A_24 : f32
    %slice3A_26 = vector.extract_strided_slice %max3A_17 {offsets = [3], sizes = [1], strides = [1]} : vector<16xf32> to vector<1xf32>
    %squeeze3A_27 = vector.extract %slice3A_26[0] : f32 from vector<1xf32>
    %max3A_28 = arith.maximumf %max3A_25, %squeeze3A_27 : f32
    %slice3A_29 = vector.extract_strided_slice %max3A_17 {offsets = [4], sizes = [1], strides = [1]} : vector<16xf32> to vector<1xf32>
    %squeeze3A_30 = vector.extract %slice3A_29[0] : f32 from vector<1xf32>
    %max3A_31 = arith.maximumf %max3A_28, %squeeze3A_30 : f32
    %slice3A_32 = vector.extract_strided_slice %max3A_17 {offsets = [5], sizes = [1], strides = [1]} : vector<16xf32> to vector<1xf32>
    %squeeze3A_33 = vector.extract %slice3A_32[0] : f32 from vector<1xf32>
    %max3A_34 = arith.maximumf %max3A_31, %squeeze3A_33 : f32
    %slice3A_35 = vector.extract_strided_slice %max3A_17 {offsets = [6], sizes = [1], strides = [1]} : vector<16xf32> to vector<1xf32>
    %squeeze3A_36 = vector.extract %slice3A_35[0] : f32 from vector<1xf32>
    %max3A_37 = arith.maximumf %max3A_34, %squeeze3A_36 : f32
    %slice3A_38 = vector.extract_strided_slice %max3A_17 {offsets = [7], sizes = [1], strides = [1]} : vector<16xf32> to vector<1xf32>
    %squeeze3A_39 = vector.extract %slice3A_38[0] : f32 from vector<1xf32>
    %max3A_40 = arith.maximumf %max3A_37, %squeeze3A_39 : f32
    %slice3A_41 = vector.extract_strided_slice %max3A_17 {offsets = [8], sizes = [1], strides = [1]} : vector<16xf32> to vector<1xf32>
    %squeeze3A_42 = vector.extract %slice3A_41[0] : f32 from vector<1xf32>
    %max3A_43 = arith.maximumf %max3A_40, %squeeze3A_42 : f32
    %slice3A_44 = vector.extract_strided_slice %max3A_17 {offsets = [9], sizes = [1], strides = [1]} : vector<16xf32> to vector<1xf32>
    %squeeze3A_45 = vector.extract %slice3A_44[0] : f32 from vector<1xf32>
    %max3A_46 = arith.maximumf %max3A_43, %squeeze3A_45 : f32
    %slice3A_47 = vector.extract_strided_slice %max3A_17 {offsets = [10], sizes = [1], strides = [1]} : vector<16xf32> to vector<1xf32>
    %squeeze3A_48 = vector.extract %slice3A_47[0] : f32 from vector<1xf32>
    %max3A_49 = arith.maximumf %max3A_46, %squeeze3A_48 : f32
    %slice3A_50 = vector.extract_strided_slice %max3A_17 {offsets = [11], sizes = [1], strides = [1]} : vector<16xf32> to vector<1xf32>
    %squeeze3A_51 = vector.extract %slice3A_50[0] : f32 from vector<1xf32>
    %max3A_52 = arith.maximumf %max3A_49, %squeeze3A_51 : f32
    %slice3A_53 = vector.extract_strided_slice %max3A_17 {offsets = [12], sizes = [1], strides = [1]} : vector<16xf32> to vector<1xf32>
    %squeeze3A_54 = vector.extract %slice3A_53[0] : f32 from vector<1xf32>
    %max3A_55 = arith.maximumf %max3A_52, %squeeze3A_54 : f32
    %slice3A_56 = vector.extract_strided_slice %max3A_17 {offsets = [13], sizes = [1], strides = [1]} : vector<16xf32> to vector<1xf32>
    %squeeze3A_57 = vector.extract %slice3A_56[0] : f32 from vector<1xf32>
    %max3A_58 = arith.maximumf %max3A_55, %squeeze3A_57 : f32
    %slice3A_59 = vector.extract_strided_slice %max3A_17 {offsets = [14], sizes = [1], strides = [1]} : vector<16xf32> to vector<1xf32>
    %squeeze3A_60 = vector.extract %slice3A_59[0] : f32 from vector<1xf32>
    %max3A_61 = arith.maximumf %max3A_58, %squeeze3A_60 : f32
    %slice3A_62 = vector.extract_strided_slice %max3A_17 {offsets = [15], sizes = [1], strides = [1]} : vector<16xf32> to vector<1xf32>
    %squeeze3A_63 = vector.extract %slice3A_62[0] : f32 from vector<1xf32>
    %max3A_64 = arith.maximumf %max3A_61, %squeeze3A_63 : f32
    %broadcast_in_dim3A_65 = vector.broadcast %max3A_64 : f32 to vector<16xf32>
    %sub3A = arith.constant 1.000000e+00 : f32
    %sub3A_66 = vector.broadcast %sub3A : f32 to vector<16xf32>
    %sub3A_67 = arith.subf %broadcast_in_dim3A_65, %sub3A_66 : vector<16xf32>
    %scan3A_68 = arith.constant 0 : i32
    %scan3A_69 = arith.constant 8 : i32
    %scan3A_70 = arith.addi %scan3A_68, %scan3A_69 : i32
    %scan3A_71 = arith.constant 1 : i32
    %scan3A_72 = scf.for %scan3A_82 = %scan3A_68 to %scan3A_70 step %scan3A_71 iter_args(%scan3A_83 = %sub3A_67) -> (vector<16xf32>)  : i32 {
      %broadcast_in_dim3A_84 = arith.constant 0.000000e+00 : f32
      %broadcast_in_dim3A_85 = vector.broadcast %broadcast_in_dim3A_84 : f32 to vector<16xf32>
      %scan3A_86 = arith.constant 0 : i32
      %scan3A_87 = arith.constant 256 : i32
      %scan3A_88 = arith.addi %scan3A_86, %scan3A_87 : i32
      %scan3A_89 = arith.constant 1 : i32
      %scan3A_90:16 = scf.for %scan3A_211 = %scan3A_86 to %scan3A_88 step %scan3A_89 iter_args(%scan3A_212 = %broadcast_in_dim3A_85, %scan3A_213 = %broadcast_in_dim3A_85, %scan3A_214 = %broadcast_in_dim3A_85, %scan3A_215 = %broadcast_in_dim3A_85, %scan3A_216 = %broadcast_in_dim3A_85, %scan3A_217 = %broadcast_in_dim3A_85, %scan3A_218 = %broadcast_in_dim3A_85, %scan3A_219 = %broadcast_in_dim3A_85, %scan3A_220 = %broadcast_in_dim3A_85, %scan3A_221 = %broadcast_in_dim3A_85, %scan3A_222 = %broadcast_in_dim3A_85, %scan3A_223 = %broadcast_in_dim3A_85, %scan3A_224 = %broadcast_in_dim3A_85, %scan3A_225 = %broadcast_in_dim3A_85, %scan3A_226 = %broadcast_in_dim3A_85, %scan3A_227 = %broadcast_in_dim3A_85) -> (vector<16xf32>, vector<16xf32>, vector<16xf32>, vector<16xf32>, vector<16xf32>, vector<16xf32>, vector<16xf32>, vector<16xf32>, vector<16xf32>, vector<16xf32>, vector<16xf32>, vector<16xf32>, vector<16xf32>, vector<16xf32>, vector<16xf32>, vector<16xf32>)  : i32 {
        %mul3A_228 = arith.constant 16 : i32
        %mul3A_229 = arith.muli %scan3A_211, %mul3A_228 : i32
        %mul3A_230 = arith.constant 8 : i32
        %mul3A_231 = arith.muli %mul3A_229, %mul3A_230 : i32
        %add3A_232 = arith.constant 0 : i32
        %add3A_233 = arith.addi %mul3A_231, %add3A_232 : i32
        %get3A = arith.index_cast %add3A_233 : i32 to index
        %get3A_234 = tpu.vector_load %arg4[%get3A] {strides = array<i32>} : memref<32768xf32, #tpu.memory_space<vmem>>, vector<16xf32>,
        %get3A_235 = vector.shape_cast %get3A_234 : vector<16xf32> to vector<16xf32>
        %sub3A_236 = arith.subf %get3A_235, %scan3A_83 : vector<16xf32>
        %max3A_237 = arith.constant 0.000000e+00 : f32
        %max3A_238 = vector.broadcast %max3A_237 : f32 to vector<16xf32>
        %max3A_239 = arith.maximumf %sub3A_236, %max3A_238 : vector<16xf32>
        %add3A_240 = arith.addf %scan3A_212, %max3A_239 : vector<16xf32>
        %gt3A = arith.constant 0.000000e+00 : f32
        %gt3A_241 = vector.broadcast %gt3A : f32 to vector<16xf32>
        %gt3A_242 = arith.cmpf ogt, %sub3A_236, %gt3A_241 : vector<16xf32>
        %jit3A = arith.constant 1.000000e+00 : f32
        %jit3A_243 = arith.constant 0.000000e+00 : f32
        %broadcast_in_dim3A_244 = vector.broadcast %jit3A : f32 to vector<16xf32>
        %broadcast_in_dim3A_245 = vector.broadcast %jit3A_243 : f32 to vector<16xf32>
        %select_n3A = arith.select %gt3A_242, %broadcast_in_dim3A_244, %broadcast_in_dim3A_245 : vector<16xi1>, vector<16xf32>
        %add3A_246 = arith.addf %scan3A_220, %select_n3A : vector<16xf32>
        %add3A_247 = arith.constant 16 : i32
        %add3A_248 = arith.addi %mul3A_231, %add3A_247 : i32
        %get3A_249 = arith.index_cast %add3A_248 : i32 to index
        %get3A_250 = tpu.vector_load %arg4[%get3A_249] {strides = array<i32>} : memref<32768xf32, #tpu.memory_space<vmem>>, vector<16xf32>,
        %get3A_251 = vector.shape_cast %get3A_250 : vector<16xf32> to vector<16xf32>
        %sub3A_252 = arith.subf %get3A_251, %scan3A_83 : vector<16xf32>
        %max3A_253 = arith.constant 0.000000e+00 : f32
        %max3A_254 = vector.broadcast %max3A_253 : f32 to vector<16xf32>
        %max3A_255 = arith.maximumf %sub3A_252, %max3A_254 : vector<16xf32>
        %add3A_256 = arith.addf %scan3A_213, %max3A_255 : vector<16xf32>
        %gt3A_257 = arith.constant 0.000000e+00 : f32
        %gt3A_258 = vector.broadcast %gt3A_257 : f32 to vector<16xf32>
        %gt3A_259 = arith.cmpf ogt, %sub3A_252, %gt3A_258 : vector<16xf32>
        %jit3A_260 = arith.constant 1.000000e+00 : f32
        %jit3A_261 = arith.constant 0.000000e+00 : f32
        %broadcast_in_dim3A_262 = vector.broadcast %jit3A_260 : f32 to vector<16xf32>
        %broadcast_in_dim3A_263 = vector.broadcast %jit3A_261 : f32 to vector<16xf32>
        %select_n3A_264 = arith.select %gt3A_259, %broadcast_in_dim3A_262, %broadcast_in_dim3A_263 : vector<16xi1>, vector<16xf32>
        %add3A_265 = arith.addf %scan3A_221, %select_n3A_264 : vector<16xf32>
        %add3A_266 = arith.constant 32 : i32
        %add3A_267 = arith.addi %mul3A_231, %add3A_266 : i32
        %get3A_268 = arith.index_cast %add3A_267 : i32 to index
        %get3A_269 = tpu.vector_load %arg4[%get3A_268] {strides = array<i32>} : memref<32768xf32, #tpu.memory_space<vmem>>, vector<16xf32>,
        %get3A_270 = vector.shape_cast %get3A_269 : vector<16xf32> to vector<16xf32>
        %sub3A_271 = arith.subf %get3A_270, %scan3A_83 : vector<16xf32>
        %max3A_272 = arith.constant 0.000000e+00 : f32
        %max3A_273 = vector.broadcast %max3A_272 : f32 to vector<16xf32>
        %max3A_274 = arith.maximumf %sub3A_271, %max3A_273 : vector<16xf32>
        %add3A_275 = arith.addf %scan3A_214, %max3A_274 : vector<16xf32>
        %gt3A_276 = arith.constant 0.000000e+00 : f32
        %gt3A_277 = vector.broadcast %gt3A_276 : f32 to vector<16xf32>
        %gt3A_278 = arith.cmpf ogt, %sub3A_271, %gt3A_277 : vector<16xf32>
        %jit3A_279 = arith.constant 1.000000e+00 : f32
        %jit3A_280 = arith.constant 0.000000e+00 : f32
        %broadcast_in_dim3A_281 = vector.broadcast %jit3A_279 : f32 to vector<16xf32>
        %broadcast_in_dim3A_282 = vector.broadcast %jit3A_280 : f32 to vector<16xf32>
        %select_n3A_283 = arith.select %gt3A_278, %broadcast_in_dim3A_281, %broadcast_in_dim3A_282 : vector<16xi1>, vector<16xf32>
        %add3A_284 = arith.addf %scan3A_222, %select_n3A_283 : vector<16xf32>
        %add3A_285 = arith.constant 48 : i32
        %add3A_286 = arith.addi %mul3A_231, %add3A_285 : i32
        %get3A_287 = arith.index_cast %add3A_286 : i32 to index
        %get3A_288 = tpu.vector_load %arg4[%get3A_287] {strides = array<i32>} : memref<32768xf32, #tpu.memory_space<vmem>>, vector<16xf32>,
        %get3A_289 = vector.shape_cast %get3A_288 : vector<16xf32> to vector<16xf32>
        %sub3A_290 = arith.subf %get3A_289, %scan3A_83 : vector<16xf32>
        %max3A_291 = arith.constant 0.000000e+00 : f32
        %max3A_292 = vector.broadcast %max3A_291 : f32 to vector<16xf32>
        %max3A_293 = arith.maximumf %sub3A_290, %max3A_292 : vector<16xf32>
        %add3A_294 = arith.addf %scan3A_215, %max3A_293 : vector<16xf32>
        %gt3A_295 = arith.constant 0.000000e+00 : f32
        %gt3A_296 = vector.broadcast %gt3A_295 : f32 to vector<16xf32>
        %gt3A_297 = arith.cmpf ogt, %sub3A_290, %gt3A_296 : vector<16xf32>
        %jit3A_298 = arith.constant 1.000000e+00 : f32
        %jit3A_299 = arith.constant 0.000000e+00 : f32
        %broadcast_in_dim3A_300 = vector.broadcast %jit3A_298 : f32 to vector<16xf32>
        %broadcast_in_dim3A_301 = vector.broadcast %jit3A_299 : f32 to vector<16xf32>
        %select_n3A_302 = arith.select %gt3A_297, %broadcast_in_dim3A_300, %broadcast_in_dim3A_301 : vector<16xi1>, vector<16xf32>
        %add3A_303 = arith.addf %scan3A_223, %select_n3A_302 : vector<16xf32>
        %add3A_304 = arith.constant 64 : i32
        %add3A_305 = arith.addi %mul3A_231, %add3A_304 : i32
        %get3A_306 = arith.index_cast %add3A_305 : i32 to index
        %get3A_307 = tpu.vector_load %arg4[%get3A_306] {strides = array<i32>} : memref<32768xf32, #tpu.memory_space<vmem>>, vector<16xf32>,
        %get3A_308 = vector.shape_cast %get3A_307 : vector<16xf32> to vector<16xf32>
        %sub3A_309 = arith.subf %get3A_308, %scan3A_83 : vector<16xf32>
        %max3A_310 = arith.constant 0.000000e+00 : f32
        %max3A_311 = vector.broadcast %max3A_310 : f32 to vector<16xf32>
        %max3A_312 = arith.maximumf %sub3A_309, %max3A_311 : vector<16xf32>
        %add3A_313 = arith.addf %scan3A_216, %max3A_312 : vector<16xf32>
        %gt3A_314 = arith.constant 0.000000e+00 : f32
        %gt3A_315 = vector.broadcast %gt3A_314 : f32 to vector<16xf32>
        %gt3A_316 = arith.cmpf ogt, %sub3A_309, %gt3A_315 : vector<16xf32>
        %jit3A_317 = arith.constant 1.000000e+00 : f32
        %jit3A_318 = arith.constant 0.000000e+00 : f32
        %broadcast_in_dim3A_319 = vector.broadcast %jit3A_317 : f32 to vector<16xf32>
        %broadcast_in_dim3A_320 = vector.broadcast %jit3A_318 : f32 to vector<16xf32>
        %select_n3A_321 = arith.select %gt3A_316, %broadcast_in_dim3A_319, %broadcast_in_dim3A_320 : vector<16xi1>, vector<16xf32>
        %add3A_322 = arith.addf %scan3A_224, %select_n3A_321 : vector<16xf32>
        %add3A_323 = arith.constant 80 : i32
        %add3A_324 = arith.addi %mul3A_231, %add3A_323 : i32
        %get3A_325 = arith.index_cast %add3A_324 : i32 to index
        %get3A_326 = tpu.vector_load %arg4[%get3A_325] {strides = array<i32>} : memref<32768xf32, #tpu.memory_space<vmem>>, vector<16xf32>,
        %get3A_327 = vector.shape_cast %get3A_326 : vector<16xf32> to vector<16xf32>
        %sub3A_328 = arith.subf %get3A_327, %scan3A_83 : vector<16xf32>
        %max3A_329 = arith.constant 0.000000e+00 : f32
        %max3A_330 = vector.broadcast %max3A_329 : f32 to vector<16xf32>
        %max3A_331 = arith.maximumf %sub3A_328, %max3A_330 : vector<16xf32>
        %add3A_332 = arith.addf %scan3A_217, %max3A_331 : vector<16xf32>
        %gt3A_333 = arith.constant 0.000000e+00 : f32
        %gt3A_334 = vector.broadcast %gt3A_333 : f32 to vector<16xf32>
        %gt3A_335 = arith.cmpf ogt, %sub3A_328, %gt3A_334 : vector<16xf32>
        %jit3A_336 = arith.constant 1.000000e+00 : f32
        %jit3A_337 = arith.constant 0.000000e+00 : f32
        %broadcast_in_dim3A_338 = vector.broadcast %jit3A_336 : f32 to vector<16xf32>
        %broadcast_in_dim3A_339 = vector.broadcast %jit3A_337 : f32 to vector<16xf32>
        %select_n3A_340 = arith.select %gt3A_335, %broadcast_in_dim3A_338, %broadcast_in_dim3A_339 : vector<16xi1>, vector<16xf32>
        %add3A_341 = arith.addf %scan3A_225, %select_n3A_340 : vector<16xf32>
        %add3A_342 = arith.constant 96 : i32
        %add3A_343 = arith.addi %mul3A_231, %add3A_342 : i32
        %get3A_344 = arith.index_cast %add3A_343 : i32 to index
        %get3A_345 = tpu.vector_load %arg4[%get3A_344] {strides = array<i32>} : memref<32768xf32, #tpu.memory_space<vmem>>, vector<16xf32>,
        %get3A_346 = vector.shape_cast %get3A_345 : vector<16xf32> to vector<16xf32>
        %sub3A_347 = arith.subf %get3A_346, %scan3A_83 : vector<16xf32>
        %max3A_348 = arith.constant 0.000000e+00 : f32
        %max3A_349 = vector.broadcast %max3A_348 : f32 to vector<16xf32>
        %max3A_350 = arith.maximumf %sub3A_347, %max3A_349 : vector<16xf32>
        %add3A_351 = arith.addf %scan3A_218, %max3A_350 : vector<16xf32>
        %gt3A_352 = arith.constant 0.000000e+00 : f32
        %gt3A_353 = vector.broadcast %gt3A_352 : f32 to vector<16xf32>
        %gt3A_354 = arith.cmpf ogt, %sub3A_347, %gt3A_353 : vector<16xf32>
        %jit3A_355 = arith.constant 1.000000e+00 : f32
        %jit3A_356 = arith.constant 0.000000e+00 : f32
        %broadcast_in_dim3A_357 = vector.broadcast %jit3A_355 : f32 to vector<16xf32>
        %broadcast_in_dim3A_358 = vector.broadcast %jit3A_356 : f32 to vector<16xf32>
        %select_n3A_359 = arith.select %gt3A_354, %broadcast_in_dim3A_357, %broadcast_in_dim3A_358 : vector<16xi1>, vector<16xf32>
        %add3A_360 = arith.addf %scan3A_226, %select_n3A_359 : vector<16xf32>
        %add3A_361 = arith.constant 112 : i32
        %add3A_362 = arith.addi %mul3A_231, %add3A_361 : i32
        %get3A_363 = arith.index_cast %add3A_362 : i32 to index
        %get3A_364 = tpu.vector_load %arg4[%get3A_363] {strides = array<i32>} : memref<32768xf32, #tpu.memory_space<vmem>>, vector<16xf32>,
        %get3A_365 = vector.shape_cast %get3A_364 : vector<16xf32> to vector<16xf32>
        %sub3A_366 = arith.subf %get3A_365, %scan3A_83 : vector<16xf32>
        %max3A_367 = arith.constant 0.000000e+00 : f32
        %max3A_368 = vector.broadcast %max3A_367 : f32 to vector<16xf32>
        %max3A_369 = arith.maximumf %sub3A_366, %max3A_368 : vector<16xf32>
        %add3A_370 = arith.addf %scan3A_219, %max3A_369 : vector<16xf32>
        %gt3A_371 = arith.constant 0.000000e+00 : f32
        %gt3A_372 = vector.broadcast %gt3A_371 : f32 to vector<16xf32>
        %gt3A_373 = arith.cmpf ogt, %sub3A_366, %gt3A_372 : vector<16xf32>
        %jit3A_374 = arith.constant 1.000000e+00 : f32
        %jit3A_375 = arith.constant 0.000000e+00 : f32
        %broadcast_in_dim3A_376 = vector.broadcast %jit3A_374 : f32 to vector<16xf32>
        %broadcast_in_dim3A_377 = vector.broadcast %jit3A_375 : f32 to vector<16xf32>
        %select_n3A_378 = arith.select %gt3A_373, %broadcast_in_dim3A_376, %broadcast_in_dim3A_377 : vector<16xi1>, vector<16xf32>
        %add3A_379 = arith.addf %scan3A_227, %select_n3A_378 : vector<16xf32>
        scf.yield %add3A_240, %add3A_256, %add3A_275, %add3A_294, %add3A_313, %add3A_332, %add3A_351, %add3A_370, %add3A_246, %add3A_265, %add3A_284, %add3A_303, %add3A_322, %add3A_341, %add3A_360, %add3A_379 : vector<16xf32>, vector<16xf32>, vector<16xf32>, vector<16xf32>, vector<16xf32>, vector<16xf32>, vector<16xf32>, vector<16xf32>, vector<16xf32>, vector<16xf32>, vector<16xf32>, vector<16xf32>, vector<16xf32>, vector<16xf32>, vector<16xf32>, vector<16xf32>
      }
      %scan3A_91 = arith.constant 256 : i32
      %add3A_92 = arith.addf %scan3A_90#0, %scan3A_90#1 : vector<16xf32>
      %add3A_93 = arith.addf %add3A_92, %scan3A_90#2 : vector<16xf32>
      %add3A_94 = arith.addf %add3A_93, %scan3A_90#3 : vector<16xf32>
      %add3A_95 = arith.addf %add3A_94, %scan3A_90#4 : vector<16xf32>
      %add3A_96 = arith.addf %add3A_95, %scan3A_90#5 : vector<16xf32>
      %add3A_97 = arith.addf %add3A_96, %scan3A_90#6 : vector<16xf32>
      %add3A_98 = arith.addf %add3A_97, %scan3A_90#7 : vector<16xf32>
      %slice3A_99 = vector.extract_strided_slice %add3A_98 {offsets = [0], sizes = [1], strides = [1]} : vector<16xf32> to vector<1xf32>
      %squeeze3A_100 = vector.extract %slice3A_99[0] : f32 from vector<1xf32>
      %add3A_101 = arith.constant 0.000000e+00 : f32
      %add3A_102 = arith.addf %add3A_101, %squeeze3A_100 : f32
      %slice3A_103 = vector.extract_strided_slice %add3A_98 {offsets = [1], sizes = [1], strides = [1]} : vector<16xf32> to vector<1xf32>
      %squeeze3A_104 = vector.extract %slice3A_103[0] : f32 from vector<1xf32>
      %add3A_105 = arith.addf %add3A_102, %squeeze3A_104 : f32
      %slice3A_106 = vector.extract_strided_slice %add3A_98 {offsets = [2], sizes = [1], strides = [1]} : vector<16xf32> to vector<1xf32>
      %squeeze3A_107 = vector.extract %slice3A_106[0] : f32 from vector<1xf32>
      %add3A_108 = arith.addf %add3A_105, %squeeze3A_107 : f32
      %slice3A_109 = vector.extract_strided_slice %add3A_98 {offsets = [3], sizes = [1], strides = [1]} : vector<16xf32> to vector<1xf32>
      %squeeze3A_110 = vector.extract %slice3A_109[0] : f32 from vector<1xf32>
      %add3A_111 = arith.addf %add3A_108, %squeeze3A_110 : f32
      %slice3A_112 = vector.extract_strided_slice %add3A_98 {offsets = [4], sizes = [1], strides = [1]} : vector<16xf32> to vector<1xf32>
      %squeeze3A_113 = vector.extract %slice3A_112[0] : f32 from vector<1xf32>
      %add3A_114 = arith.addf %add3A_111, %squeeze3A_113 : f32
      %slice3A_115 = vector.extract_strided_slice %add3A_98 {offsets = [5], sizes = [1], strides = [1]} : vector<16xf32> to vector<1xf32>
      %squeeze3A_116 = vector.extract %slice3A_115[0] : f32 from vector<1xf32>
      %add3A_117 = arith.addf %add3A_114, %squeeze3A_116 : f32
      %slice3A_118 = vector.extract_strided_slice %add3A_98 {offsets = [6], sizes = [1], strides = [1]} : vector<16xf32> to vector<1xf32>
      %squeeze3A_119 = vector.extract %slice3A_118[0] : f32 from vector<1xf32>
      %add3A_120 = arith.addf %add3A_117, %squeeze3A_119 : f32
      %slice3A_121 = vector.extract_strided_slice %add3A_98 {offsets = [7], sizes = [1], strides = [1]} : vector<16xf32> to vector<1xf32>
      %squeeze3A_122 = vector.extract %slice3A_121[0] : f32 from vector<1xf32>
      %add3A_123 = arith.addf %add3A_120, %squeeze3A_122 : f32
      %slice3A_124 = vector.extract_strided_slice %add3A_98 {offsets = [8], sizes = [1], strides = [1]} : vector<16xf32> to vector<1xf32>
      %squeeze3A_125 = vector.extract %slice3A_124[0] : f32 from vector<1xf32>
      %add3A_126 = arith.addf %add3A_123, %squeeze3A_125 : f32
      %slice3A_127 = vector.extract_strided_slice %add3A_98 {offsets = [9], sizes = [1], strides = [1]} : vector<16xf32> to vector<1xf32>
      %squeeze3A_128 = vector.extract %slice3A_127[0] : f32 from vector<1xf32>
      %add3A_129 = arith.addf %add3A_126, %squeeze3A_128 : f32
      %slice3A_130 = vector.extract_strided_slice %add3A_98 {offsets = [10], sizes = [1], strides = [1]} : vector<16xf32> to vector<1xf32>
      %squeeze3A_131 = vector.extract %slice3A_130[0] : f32 from vector<1xf32>
      %add3A_132 = arith.addf %add3A_129, %squeeze3A_131 : f32
      %slice3A_133 = vector.extract_strided_slice %add3A_98 {offsets = [11], sizes = [1], strides = [1]} : vector<16xf32> to vector<1xf32>
      %squeeze3A_134 = vector.extract %slice3A_133[0] : f32 from vector<1xf32>
      %add3A_135 = arith.addf %add3A_132, %squeeze3A_134 : f32
      %slice3A_136 = vector.extract_strided_slice %add3A_98 {offsets = [12], sizes = [1], strides = [1]} : vector<16xf32> to vector<1xf32>
      %squeeze3A_137 = vector.extract %slice3A_136[0] : f32 from vector<1xf32>
      %add3A_138 = arith.addf %add3A_135, %squeeze3A_137 : f32
      %slice3A_139 = vector.extract_strided_slice %add3A_98 {offsets = [13], sizes = [1], strides = [1]} : vector<16xf32> to vector<1xf32>
      %squeeze3A_140 = vector.extract %slice3A_139[0] : f32 from vector<1xf32>
      %add3A_141 = arith.addf %add3A_138, %squeeze3A_140 : f32
      %slice3A_142 = vector.extract_strided_slice %add3A_98 {offsets = [14], sizes = [1], strides = [1]} : vector<16xf32> to vector<1xf32>
      %squeeze3A_143 = vector.extract %slice3A_142[0] : f32 from vector<1xf32>
      %add3A_144 = arith.addf %add3A_141, %squeeze3A_143 : f32
      %slice3A_145 = vector.extract_strided_slice %add3A_98 {offsets = [15], sizes = [1], strides = [1]} : vector<16xf32> to vector<1xf32>
      %squeeze3A_146 = vector.extract %slice3A_145[0] : f32 from vector<1xf32>
      %add3A_147 = arith.addf %add3A_144, %squeeze3A_146 : f32
      %add3A_148 = arith.addf %scan3A_90#8, %scan3A_90#9 : vector<16xf32>
      %add3A_149 = arith.addf %add3A_148, %scan3A_90#10 : vector<16xf32>
      %add3A_150 = arith.addf %add3A_149, %scan3A_90#11 : vector<16xf32>
      %add3A_151 = arith.addf %add3A_150, %scan3A_90#12 : vector<16xf32>
      %add3A_152 = arith.addf %add3A_151, %scan3A_90#13 : vector<16xf32>
      %add3A_153 = arith.addf %add3A_152, %scan3A_90#14 : vector<16xf32>
      %add3A_154 = arith.addf %add3A_153, %scan3A_90#15 : vector<16xf32>
      %slice3A_155 = vector.extract_strided_slice %add3A_154 {offsets = [0], sizes = [1], strides = [1]} : vector<16xf32> to vector<1xf32>
      %squeeze3A_156 = vector.extract %slice3A_155[0] : f32 from vector<1xf32>
      %add3A_157 = arith.constant 0.000000e+00 : f32
      %add3A_158 = arith.addf %add3A_157, %squeeze3A_156 : f32
      %slice3A_159 = vector.extract_strided_slice %add3A_154 {offsets = [1], sizes = [1], strides = [1]} : vector<16xf32> to vector<1xf32>
      %squeeze3A_160 = vector.extract %slice3A_159[0] : f32 from vector<1xf32>
      %add3A_161 = arith.addf %add3A_158, %squeeze3A_160 : f32
      %slice3A_162 = vector.extract_strided_slice %add3A_154 {offsets = [2], sizes = [1], strides = [1]} : vector<16xf32> to vector<1xf32>
      %squeeze3A_163 = vector.extract %slice3A_162[0] : f32 from vector<1xf32>
      %add3A_164 = arith.addf %add3A_161, %squeeze3A_163 : f32
      %slice3A_165 = vector.extract_strided_slice %add3A_154 {offsets = [3], sizes = [1], strides = [1]} : vector<16xf32> to vector<1xf32>
      %squeeze3A_166 = vector.extract %slice3A_165[0] : f32 from vector<1xf32>
      %add3A_167 = arith.addf %add3A_164, %squeeze3A_166 : f32
      %slice3A_168 = vector.extract_strided_slice %add3A_154 {offsets = [4], sizes = [1], strides = [1]} : vector<16xf32> to vector<1xf32>
      %squeeze3A_169 = vector.extract %slice3A_168[0] : f32 from vector<1xf32>
      %add3A_170 = arith.addf %add3A_167, %squeeze3A_169 : f32
      %slice3A_171 = vector.extract_strided_slice %add3A_154 {offsets = [5], sizes = [1], strides = [1]} : vector<16xf32> to vector<1xf32>
      %squeeze3A_172 = vector.extract %slice3A_171[0] : f32 from vector<1xf32>
      %add3A_173 = arith.addf %add3A_170, %squeeze3A_172 : f32
      %slice3A_174 = vector.extract_strided_slice %add3A_154 {offsets = [6], sizes = [1], strides = [1]} : vector<16xf32> to vector<1xf32>
      %squeeze3A_175 = vector.extract %slice3A_174[0] : f32 from vector<1xf32>
      %add3A_176 = arith.addf %add3A_173, %squeeze3A_175 : f32
      %slice3A_177 = vector.extract_strided_slice %add3A_154 {offsets = [7], sizes = [1], strides = [1]} : vector<16xf32> to vector<1xf32>
      %squeeze3A_178 = vector.extract %slice3A_177[0] : f32 from vector<1xf32>
      %add3A_179 = arith.addf %add3A_176, %squeeze3A_178 : f32
      %slice3A_180 = vector.extract_strided_slice %add3A_154 {offsets = [8], sizes = [1], strides = [1]} : vector<16xf32> to vector<1xf32>
      %squeeze3A_181 = vector.extract %slice3A_180[0] : f32 from vector<1xf32>
      %add3A_182 = arith.addf %add3A_179, %squeeze3A_181 : f32
      %slice3A_183 = vector.extract_strided_slice %add3A_154 {offsets = [9], sizes = [1], strides = [1]} : vector<16xf32> to vector<1xf32>
      %squeeze3A_184 = vector.extract %slice3A_183[0] : f32 from vector<1xf32>
      %add3A_185 = arith.addf %add3A_182, %squeeze3A_184 : f32
      %slice3A_186 = vector.extract_strided_slice %add3A_154 {offsets = [10], sizes = [1], strides = [1]} : vector<16xf32> to vector<1xf32>
      %squeeze3A_187 = vector.extract %slice3A_186[0] : f32 from vector<1xf32>
      %add3A_188 = arith.addf %add3A_185, %squeeze3A_187 : f32
      %slice3A_189 = vector.extract_strided_slice %add3A_154 {offsets = [11], sizes = [1], strides = [1]} : vector<16xf32> to vector<1xf32>
      %squeeze3A_190 = vector.extract %slice3A_189[0] : f32 from vector<1xf32>
      %add3A_191 = arith.addf %add3A_188, %squeeze3A_190 : f32
      %slice3A_192 = vector.extract_strided_slice %add3A_154 {offsets = [12], sizes = [1], strides = [1]} : vector<16xf32> to vector<1xf32>
      %squeeze3A_193 = vector.extract %slice3A_192[0] : f32 from vector<1xf32>
      %add3A_194 = arith.addf %add3A_191, %squeeze3A_193 : f32
      %slice3A_195 = vector.extract_strided_slice %add3A_154 {offsets = [13], sizes = [1], strides = [1]} : vector<16xf32> to vector<1xf32>
      %squeeze3A_196 = vector.extract %slice3A_195[0] : f32 from vector<1xf32>
      %add3A_197 = arith.addf %add3A_194, %squeeze3A_196 : f32
      %slice3A_198 = vector.extract_strided_slice %add3A_154 {offsets = [14], sizes = [1], strides = [1]} : vector<16xf32> to vector<1xf32>
      %squeeze3A_199 = vector.extract %slice3A_198[0] : f32 from vector<1xf32>
      %add3A_200 = arith.addf %add3A_197, %squeeze3A_199 : f32
      %slice3A_201 = vector.extract_strided_slice %add3A_154 {offsets = [15], sizes = [1], strides = [1]} : vector<16xf32> to vector<1xf32>
      %squeeze3A_202 = vector.extract %slice3A_201[0] : f32 from vector<1xf32>
      %add3A_203 = arith.addf %add3A_200, %squeeze3A_202 : f32
      %sub3A_204 = arith.constant 1.000000e+00 : f32
      %sub3A_205 = arith.subf %add3A_147, %sub3A_204 : f32
      %broadcast_in_dim3A_206 = vector.broadcast %sub3A_205 : f32 to vector<16xf32>
      %max3A_207 = arith.constant 1.000000e+00 : f32
      %max3A_208 = arith.maximumf %add3A_203, %max3A_207 : f32
      %broadcast_in_dim3A_209 = vector.broadcast %max3A_208 : f32 to vector<16xf32>
      %div3A = arith.divf %broadcast_in_dim3A_206, %broadcast_in_dim3A_209 : vector<16xf32>
      %add3A_210 = arith.addf %scan3A_83, %div3A : vector<16xf32>
      scf.yield %add3A_210 : vector<16xf32>
    }
    %scan3A_73 = arith.constant 8 : i32
    %scan3A_74 = arith.constant 0 : i32
    %scan3A_75 = arith.constant 0 : i32
    %scan3A_76 = arith.constant 256 : i32
    %scan3A_77 = arith.addi %scan3A_75, %scan3A_76 : i32
    %scan3A_78 = arith.constant 1 : i32
    %scan3A_79 = scf.for %scan3A_82 = %scan3A_75 to %scan3A_77 step %scan3A_78 iter_args(%scan3A_83 = %scan3A_74) -> (i32)  : i32 {
      %mul3A_84 = arith.constant 16 : i32
      %mul3A_85 = arith.muli %scan3A_82, %mul3A_84 : i32
      %mul3A_86 = arith.constant 8 : i32
      %mul3A_87 = arith.muli %mul3A_85, %mul3A_86 : i32
      %add3A_88 = arith.constant 0 : i32
      %add3A_89 = arith.addi %mul3A_87, %add3A_88 : i32
      %get3A = arith.index_cast %add3A_89 : i32 to index
      %get3A_90 = tpu.vector_load %arg4[%get3A] {strides = array<i32>} : memref<32768xf32, #tpu.memory_space<vmem>>, vector<16xf32>,
      %get3A_91 = vector.shape_cast %get3A_90 : vector<16xf32> to vector<16xf32>
      %sub3A_92 = arith.subf %get3A_91, %scan3A_72 : vector<16xf32>
      %max3A_93 = arith.constant 0.000000e+00 : f32
      %max3A_94 = vector.broadcast %max3A_93 : f32 to vector<16xf32>
      %max3A_95 = arith.maximumf %sub3A_92, %max3A_94 : vector<16xf32>
      %swap3A = arith.index_cast %add3A_89 : i32 to index
      %swap3A_96 = tpu.vector_load %arg4[%swap3A] {strides = array<i32>} : memref<32768xf32, #tpu.memory_space<vmem>>, vector<16xf32>,
      %swap3A_97 = vector.shape_cast %swap3A_96 : vector<16xf32> to vector<16xf32>
      %swap3A_98 = vector.shape_cast %max3A_95 : vector<16xf32> to vector<16xf32>
      tpu.vector_store %arg4[%swap3A], %swap3A_98 {strides = array<i32>} : memref<32768xf32, #tpu.memory_space<vmem>>, vector<16xf32>,
      %add3A_99 = arith.constant 16 : i32
      %add3A_100 = arith.addi %mul3A_87, %add3A_99 : i32
      %get3A_101 = arith.index_cast %add3A_100 : i32 to index
      %get3A_102 = tpu.vector_load %arg4[%get3A_101] {strides = array<i32>} : memref<32768xf32, #tpu.memory_space<vmem>>, vector<16xf32>,
      %get3A_103 = vector.shape_cast %get3A_102 : vector<16xf32> to vector<16xf32>
      %sub3A_104 = arith.subf %get3A_103, %scan3A_72 : vector<16xf32>
      %max3A_105 = arith.constant 0.000000e+00 : f32
      %max3A_106 = vector.broadcast %max3A_105 : f32 to vector<16xf32>
      %max3A_107 = arith.maximumf %sub3A_104, %max3A_106 : vector<16xf32>
      %swap3A_108 = arith.index_cast %add3A_100 : i32 to index
      %swap3A_109 = tpu.vector_load %arg4[%swap3A_108] {strides = array<i32>} : memref<32768xf32, #tpu.memory_space<vmem>>, vector<16xf32>,
      %swap3A_110 = vector.shape_cast %swap3A_109 : vector<16xf32> to vector<16xf32>
      %swap3A_111 = vector.shape_cast %max3A_107 : vector<16xf32> to vector<16xf32>
      tpu.vector_store %arg4[%swap3A_108], %swap3A_111 {strides = array<i32>} : memref<32768xf32, #tpu.memory_space<vmem>>, vector<16xf32>,
      %add3A_112 = arith.constant 32 : i32
      %add3A_113 = arith.addi %mul3A_87, %add3A_112 : i32
      %get3A_114 = arith.index_cast %add3A_113 : i32 to index
      %get3A_115 = tpu.vector_load %arg4[%get3A_114] {strides = array<i32>} : memref<32768xf32, #tpu.memory_space<vmem>>, vector<16xf32>,
      %get3A_116 = vector.shape_cast %get3A_115 : vector<16xf32> to vector<16xf32>
      %sub3A_117 = arith.subf %get3A_116, %scan3A_72 : vector<16xf32>
      %max3A_118 = arith.constant 0.000000e+00 : f32
      %max3A_119 = vector.broadcast %max3A_118 : f32 to vector<16xf32>
      %max3A_120 = arith.maximumf %sub3A_117, %max3A_119 : vector<16xf32>
      %swap3A_121 = arith.index_cast %add3A_113 : i32 to index
      %swap3A_122 = tpu.vector_load %arg4[%swap3A_121] {strides = array<i32>} : memref<32768xf32, #tpu.memory_space<vmem>>, vector<16xf32>,
      %swap3A_123 = vector.shape_cast %swap3A_122 : vector<16xf32> to vector<16xf32>
      %swap3A_124 = vector.shape_cast %max3A_120 : vector<16xf32> to vector<16xf32>
      tpu.vector_store %arg4[%swap3A_121], %swap3A_124 {strides = array<i32>} : memref<32768xf32, #tpu.memory_space<vmem>>, vector<16xf32>,
      %add3A_125 = arith.constant 48 : i32
      %add3A_126 = arith.addi %mul3A_87, %add3A_125 : i32
      %get3A_127 = arith.index_cast %add3A_126 : i32 to index
      %get3A_128 = tpu.vector_load %arg4[%get3A_127] {strides = array<i32>} : memref<32768xf32, #tpu.memory_space<vmem>>, vector<16xf32>,
      %get3A_129 = vector.shape_cast %get3A_128 : vector<16xf32> to vector<16xf32>
      %sub3A_130 = arith.subf %get3A_129, %scan3A_72 : vector<16xf32>
      %max3A_131 = arith.constant 0.000000e+00 : f32
      %max3A_132 = vector.broadcast %max3A_131 : f32 to vector<16xf32>
      %max3A_133 = arith.maximumf %sub3A_130, %max3A_132 : vector<16xf32>
      %swap3A_134 = arith.index_cast %add3A_126 : i32 to index
      %swap3A_135 = tpu.vector_load %arg4[%swap3A_134] {strides = array<i32>} : memref<32768xf32, #tpu.memory_space<vmem>>, vector<16xf32>,
      %swap3A_136 = vector.shape_cast %swap3A_135 : vector<16xf32> to vector<16xf32>
      %swap3A_137 = vector.shape_cast %max3A_133 : vector<16xf32> to vector<16xf32>
      tpu.vector_store %arg4[%swap3A_134], %swap3A_137 {strides = array<i32>} : memref<32768xf32, #tpu.memory_space<vmem>>, vector<16xf32>,
      %add3A_138 = arith.constant 64 : i32
      %add3A_139 = arith.addi %mul3A_87, %add3A_138 : i32
      %get3A_140 = arith.index_cast %add3A_139 : i32 to index
      %get3A_141 = tpu.vector_load %arg4[%get3A_140] {strides = array<i32>} : memref<32768xf32, #tpu.memory_space<vmem>>, vector<16xf32>,
      %get3A_142 = vector.shape_cast %get3A_141 : vector<16xf32> to vector<16xf32>
      %sub3A_143 = arith.subf %get3A_142, %scan3A_72 : vector<16xf32>
      %max3A_144 = arith.constant 0.000000e+00 : f32
      %max3A_145 = vector.broadcast %max3A_144 : f32 to vector<16xf32>
      %max3A_146 = arith.maximumf %sub3A_143, %max3A_145 : vector<16xf32>
      %swap3A_147 = arith.index_cast %add3A_139 : i32 to index
      %swap3A_148 = tpu.vector_load %arg4[%swap3A_147] {strides = array<i32>} : memref<32768xf32, #tpu.memory_space<vmem>>, vector<16xf32>,
      %swap3A_149 = vector.shape_cast %swap3A_148 : vector<16xf32> to vector<16xf32>
      %swap3A_150 = vector.shape_cast %max3A_146 : vector<16xf32> to vector<16xf32>
      tpu.vector_store %arg4[%swap3A_147], %swap3A_150 {strides = array<i32>} : memref<32768xf32, #tpu.memory_space<vmem>>, vector<16xf32>,
      %add3A_151 = arith.constant 80 : i32
      %add3A_152 = arith.addi %mul3A_87, %add3A_151 : i32
      %get3A_153 = arith.index_cast %add3A_152 : i32 to index
      %get3A_154 = tpu.vector_load %arg4[%get3A_153] {strides = array<i32>} : memref<32768xf32, #tpu.memory_space<vmem>>, vector<16xf32>,
      %get3A_155 = vector.shape_cast %get3A_154 : vector<16xf32> to vector<16xf32>
      %sub3A_156 = arith.subf %get3A_155, %scan3A_72 : vector<16xf32>
      %max3A_157 = arith.constant 0.000000e+00 : f32
      %max3A_158 = vector.broadcast %max3A_157 : f32 to vector<16xf32>
      %max3A_159 = arith.maximumf %sub3A_156, %max3A_158 : vector<16xf32>
      %swap3A_160 = arith.index_cast %add3A_152 : i32 to index
      %swap3A_161 = tpu.vector_load %arg4[%swap3A_160] {strides = array<i32>} : memref<32768xf32, #tpu.memory_space<vmem>>, vector<16xf32>,
      %swap3A_162 = vector.shape_cast %swap3A_161 : vector<16xf32> to vector<16xf32>
      %swap3A_163 = vector.shape_cast %max3A_159 : vector<16xf32> to vector<16xf32>
      tpu.vector_store %arg4[%swap3A_160], %swap3A_163 {strides = array<i32>} : memref<32768xf32, #tpu.memory_space<vmem>>, vector<16xf32>,
      %add3A_164 = arith.constant 96 : i32
      %add3A_165 = arith.addi %mul3A_87, %add3A_164 : i32
      %get3A_166 = arith.index_cast %add3A_165 : i32 to index
      %get3A_167 = tpu.vector_load %arg4[%get3A_166] {strides = array<i32>} : memref<32768xf32, #tpu.memory_space<vmem>>, vector<16xf32>,
      %get3A_168 = vector.shape_cast %get3A_167 : vector<16xf32> to vector<16xf32>
      %sub3A_169 = arith.subf %get3A_168, %scan3A_72 : vector<16xf32>
      %max3A_170 = arith.constant 0.000000e+00 : f32
      %max3A_171 = vector.broadcast %max3A_170 : f32 to vector<16xf32>
      %max3A_172 = arith.maximumf %sub3A_169, %max3A_171 : vector<16xf32>
      %swap3A_173 = arith.index_cast %add3A_165 : i32 to index
      %swap3A_174 = tpu.vector_load %arg4[%swap3A_173] {strides = array<i32>} : memref<32768xf32, #tpu.memory_space<vmem>>, vector<16xf32>,
      %swap3A_175 = vector.shape_cast %swap3A_174 : vector<16xf32> to vector<16xf32>
      %swap3A_176 = vector.shape_cast %max3A_172 : vector<16xf32> to vector<16xf32>
      tpu.vector_store %arg4[%swap3A_173], %swap3A_176 {strides = array<i32>} : memref<32768xf32, #tpu.memory_space<vmem>>, vector<16xf32>,
      %add3A_177 = arith.constant 112 : i32
      %add3A_178 = arith.addi %mul3A_87, %add3A_177 : i32
      %get3A_179 = arith.index_cast %add3A_178 : i32 to index
      %get3A_180 = tpu.vector_load %arg4[%get3A_179] {strides = array<i32>} : memref<32768xf32, #tpu.memory_space<vmem>>, vector<16xf32>,
      %get3A_181 = vector.shape_cast %get3A_180 : vector<16xf32> to vector<16xf32>
      %sub3A_182 = arith.subf %get3A_181, %scan3A_72 : vector<16xf32>
      %max3A_183 = arith.constant 0.000000e+00 : f32
      %max3A_184 = vector.broadcast %max3A_183 : f32 to vector<16xf32>
      %max3A_185 = arith.maximumf %sub3A_182, %max3A_184 : vector<16xf32>
      %swap3A_186 = arith.index_cast %add3A_178 : i32 to index
      %swap3A_187 = tpu.vector_load %arg4[%swap3A_186] {strides = array<i32>} : memref<32768xf32, #tpu.memory_space<vmem>>, vector<16xf32>,
      %swap3A_188 = vector.shape_cast %swap3A_187 : vector<16xf32> to vector<16xf32>
      %swap3A_189 = vector.shape_cast %max3A_185 : vector<16xf32> to vector<16xf32>
      tpu.vector_store %arg4[%swap3A_186], %swap3A_189 {strides = array<i32>} : memref<32768xf32, #tpu.memory_space<vmem>>, vector<16xf32>,
      %scan3A_190 = arith.constant 0 : i32
      scf.yield %scan3A_190 : i32
    }
    %scan3A_80 = arith.constant 256 : i32
    "tpu.region"() ({
      %run_scoped3A = tpu.sem_alloc : memref<!tpu.dma_semaphore, #tpu.memory_space<semaphore_mem>>
      %dma_start3A = arith.constant 0 : i32
      %dma_start3A_82 = tpu.memref_slice %arg3[%add3A_4, %dma_start3A] : memref<32x32768xf32, #tpu.memory_space<hbm>> -> memref<1x32768xf32, #tpu.memory_space<hbm>>
      %dma_start3A_83 = tpu.memref_squeeze %dma_start3A_82 : memref<1x32768xf32, #tpu.memory_space<hbm>> -> memref<32768xf32, #tpu.memory_space<hbm>>
      %dma_start3A_84 = arith.constant 0 : i32
      %dma_start3A_85 = tpu.memref_slice %arg3[%add3A_4, %dma_start3A_84] : memref<32x32768xf32, #tpu.memory_space<hbm>> -> memref<1x32768xf32, #tpu.memory_space<hbm>>
      %dma_start3A_86 = tpu.memref_squeeze %dma_start3A_85 : memref<1x32768xf32, #tpu.memory_space<hbm>> -> memref<32768xf32, #tpu.memory_space<hbm>>
      tpu.enqueue_dma source(%arg4 : memref<32768xf32, #tpu.memory_space<vmem>>) target(%dma_start3A_86 : memref<32768xf32, #tpu.memory_space<hbm>>) target_semaphore(%run_scoped3A : memref<!tpu.dma_semaphore, #tpu.memory_space<semaphore_mem>>)
      %dma_wait3A = arith.constant 0 : i32
      %dma_wait3A_87 = tpu.memref_slice %arg3[%add3A_4, %dma_wait3A] : memref<32x32768xf32, #tpu.memory_space<hbm>> -> memref<1x32768xf32, #tpu.memory_space<hbm>>
      %dma_wait3A_88 = tpu.memref_squeeze %dma_wait3A_87 : memref<1x32768xf32, #tpu.memory_space<hbm>> -> memref<32768xf32, #tpu.memory_space<hbm>>
      %dma_wait3A_89 = arith.constant 0 : i32
      %dma_wait3A_90 = tpu.memref_slice %arg3[%add3A_4, %dma_wait3A_89] : memref<32x32768xf32, #tpu.memory_space<hbm>> -> memref<1x32768xf32, #tpu.memory_space<hbm>>
      %dma_wait3A_91 = tpu.memref_squeeze %dma_wait3A_90 : memref<1x32768xf32, #tpu.memory_space<hbm>> -> memref<32768xf32, #tpu.memory_space<hbm>>
      tpu.wait_dma2 semaphore(%run_scoped3A : memref<!tpu.dma_semaphore, #tpu.memory_space<semaphore_mem>>) src(%arg4 : memref<32768xf32, #tpu.memory_space<vmem>>) dst(%dma_wait3A_91 : memref<32768xf32, #tpu.memory_space<hbm>>)
      tpu.yield
    }) : () -> ()
    %scan3A_81 = arith.constant 1 : i32
    return
  }
}

module attributes {stable_mosaic.version = 14 : i64} {
  func.func @_tc_block(%arg0: i32, %arg1: memref<48x32768xf32, #tpu.memory_space<vmem>>, %arg2: memref<48x32768xf32, #tpu.memory_space<vmem>>) attributes {dimension_semantics = [#tpu.dimension_semantics<parallel>], iteration_bounds = array<i64: 2>, scalar_prefetch = 0 : i64, scratch_operands = 0 : i64, tpu.core_type = #tpu.core_type<tc>, window_params = [{transform_indices = @transform_0, window_bounds = array<i64: 48, 32768>}, {transform_indices = @transform_1, window_bounds = array<i64: 48, 32768>}]} {
    %get3A = arith.constant 0 : index
    %get3A_0 = arith.constant 0 : index
    %get3A_1 = vector.load %arg1[%get3A, %get3A_0] : memref<48x32768xf32, #tpu.memory_space<vmem>>, vector<48x32768xf32>
    %reduce_max3A = arith.constant dense<0xFF800000> : vector<48xf32>
    %reduce_max3A_2 = vector.multi_reduction <maximumf>, %get3A_1, %reduce_max3A [1] : vector<48x32768xf32> to vector<48xf32>
    %broadcast_in_dim3A = vector.shape_cast %reduce_max3A_2 : vector<48xf32> to vector<48x1xf32>
    %sub3A = arith.constant 1.000000e+00 : f32
    %sub3A_3 = vector.broadcast %sub3A : f32 to vector<48x1xf32>
    %sub3A_4 = arith.subf %broadcast_in_dim3A, %sub3A_3 : vector<48x1xf32>
    %sub3A_5 = arith.constant 1.000000e+00 : f32
    %sub3A_6 = vector.broadcast %sub3A_5 : f32 to vector<48x1xf32>
    %sub3A_7 = arith.subf %sub3A_4, %sub3A_6 : vector<48x1xf32>
    %while3A = arith.constant 0 : i32
    %while3A_8:3 = scf.while (%while3A_18 = %while3A, %while3A_19 = %sub3A_4, %while3A_20 = %sub3A_7) : (i32, vector<48x1xf32>, vector<48x1xf32>) -> (i32, vector<48x1xf32>, vector<48x1xf32>) {
      %lt3A = arith.constant 16 : i32
      %lt3A_21 = arith.cmpi slt, %while3A_18, %lt3A : i32
      %ne3A = arith.cmpf one, %while3A_19, %while3A_20 : vector<48x1xf32>
      %reduce_or3A = arith.constant 1.000000e+00 : f32
      %reduce_or3A_22 = arith.constant 0.000000e+00 : f32
      %reduce_or3A_23 = vector.broadcast %reduce_or3A : f32 to vector<48x1xf32>
      %reduce_or3A_24 = vector.broadcast %reduce_or3A_22 : f32 to vector<48x1xf32>
      %reduce_or3A_25 = arith.select %ne3A, %reduce_or3A_23, %reduce_or3A_24 : vector<48x1xi1>, vector<48x1xf32>
      %reduce_or3A_26 = vector.shape_cast %reduce_or3A_25 : vector<48x1xf32> to vector<1x48x1xf32>
      %reduce_or3A_27 = arith.constant dense<0xFF800000> : vector<1xf32>
      %reduce_or3A_28 = vector.multi_reduction <maximumf>, %reduce_or3A_26, %reduce_or3A_27 [1, 2] : vector<1x48x1xf32> to vector<1xf32>
      %reduce_or3A_29 = vector.shape_cast %reduce_or3A_28 : vector<1xf32> to vector<1x1x1xf32>
      %reduce_or3A_30 = vector.extract %reduce_or3A_29[0, 0, 0] : f32 from vector<1x1x1xf32>
      %reduce_or3A_31 = arith.constant 0.000000e+00 : f32
      %reduce_or3A_32 = arith.cmpf ogt, %reduce_or3A_30, %reduce_or3A_31 : f32
      %and3A = arith.andi %lt3A_21, %reduce_or3A_32 : i1
      scf.condition(%and3A) %while3A_18, %while3A_19, %while3A_20 : i32, vector<48x1xf32>, vector<48x1xf32>
    } do {
    ^bb0(%while3A_18: i32, %while3A_19: vector<48x1xf32>, %while3A_20: vector<48x1xf32>):
      %get3A_21 = arith.constant 0 : index
      %get3A_22 = arith.constant 0 : index
      %get3A_23 = vector.load %arg1[%get3A_21, %get3A_22] : memref<48x32768xf32, #tpu.memory_space<vmem>>, vector<48x32768xf32>
      %sub3A_24 = vector.broadcast %while3A_19 : vector<48x1xf32> to vector<48x32768xf32>
      %sub3A_25 = arith.subf %get3A_23, %sub3A_24 : vector<48x32768xf32>
      %max3A_26 = arith.constant 0.000000e+00 : f32
      %max3A_27 = vector.broadcast %max3A_26 : f32 to vector<48x32768xf32>
      %max3A_28 = arith.maximumf %sub3A_25, %max3A_27 : vector<48x32768xf32>
      %reduce_sum3A = arith.constant dense<0.000000e+00> : vector<48xf32>
      %reduce_sum3A_29 = vector.multi_reduction <add>, %max3A_28, %reduce_sum3A [1] : vector<48x32768xf32> to vector<48xf32>
      %broadcast_in_dim3A_30 = vector.shape_cast %reduce_sum3A_29 : vector<48xf32> to vector<48x1xf32>
      %gt3A = arith.constant 0.000000e+00 : f32
      %gt3A_31 = vector.broadcast %gt3A : f32 to vector<48x32768xf32>
      %gt3A_32 = arith.cmpf ogt, %sub3A_25, %gt3A_31 : vector<48x32768xf32>
      %convert_element_type3A = arith.extui %gt3A_32 : vector<48x32768xi1> to vector<48x32768xi32>
      %convert_element_type3A_33 = arith.sitofp %convert_element_type3A : vector<48x32768xi32> to vector<48x32768xf32>
      %reduce_sum3A_34 = arith.constant dense<0.000000e+00> : vector<48xf32>
      %reduce_sum3A_35 = vector.multi_reduction <add>, %convert_element_type3A_33, %reduce_sum3A_34 [1] : vector<48x32768xf32> to vector<48xf32>
      %broadcast_in_dim3A_36 = vector.shape_cast %reduce_sum3A_35 : vector<48xf32> to vector<48x1xf32>
      %sub3A_37 = arith.constant 1.000000e+00 : f32
      %sub3A_38 = vector.broadcast %sub3A_37 : f32 to vector<48x1xf32>
      %sub3A_39 = arith.subf %broadcast_in_dim3A_30, %sub3A_38 : vector<48x1xf32>
      %max3A_40 = arith.constant 1.000000e+00 : f32
      %max3A_41 = vector.broadcast %max3A_40 : f32 to vector<48x1xf32>
      %max3A_42 = arith.maximumf %broadcast_in_dim3A_36, %max3A_41 : vector<48x1xf32>
      %div3A = arith.divf %sub3A_39, %max3A_42 : vector<48x1xf32>
      %add3A = arith.addf %while3A_19, %div3A : vector<48x1xf32>
      %add3A_43 = arith.constant 1 : i32
      %add3A_44 = arith.addi %while3A_18, %add3A_43 : i32
      scf.yield %add3A_44, %add3A, %while3A_19 : i32, vector<48x1xf32>, vector<48x1xf32>
    }
    %get3A_9 = arith.constant 0 : index
    %get3A_10 = arith.constant 0 : index
    %get3A_11 = vector.load %arg1[%get3A_9, %get3A_10] : memref<48x32768xf32, #tpu.memory_space<vmem>>, vector<48x32768xf32>
    %sub3A_12 = vector.broadcast %while3A_8#1 : vector<48x1xf32> to vector<48x32768xf32>
    %sub3A_13 = arith.subf %get3A_11, %sub3A_12 : vector<48x32768xf32>
    %max3A = arith.constant 0.000000e+00 : f32
    %max3A_14 = vector.broadcast %max3A : f32 to vector<48x32768xf32>
    %max3A_15 = arith.maximumf %sub3A_13, %max3A_14 : vector<48x32768xf32>
    %swap3A = arith.constant 0 : index
    %swap3A_16 = arith.constant 0 : index
    %swap3A_17 = vector.load %arg2[%swap3A, %swap3A_16] : memref<48x32768xf32, #tpu.memory_space<vmem>>, vector<48x32768xf32>
    tpu.vector_store %arg2[%swap3A, %swap3A_16], %max3A_15 {strides = array<i32>} : memref<48x32768xf32, #tpu.memory_space<vmem>>, vector<48x32768xf32>,
    return
  }
  func.func @transform_0(%arg0: i32) -> (i32, i32) {
    %c0_i32 = arith.constant 0 : i32
    %c0_i32_0 = arith.constant 0 : i32
    return %arg0, %c0_i32 : i32, i32
  }
  func.func @transform_1(%arg0: i32) -> (i32, i32) {
    %c0_i32 = arith.constant 0 : i32
    %c0_i32_0 = arith.constant 0 : i32
    return %arg0, %c0_i32 : i32, i32
  }
}

</mosaic_0001>

<sc_bundles>
// kernel: kernel.4.cloned.1.call-start
scs
__scs_entry_jumppad:
0x0: {  	(pc) =	sbr.rel $0x88, $3  }
0x1: {  	(tag) =	ssettag $0x0;
	lr =	simm.s32 $0x1  }
0x2: {  	[smem:$0x3FA0] =	sst lr;
	_ =	strace $0xD0000000  }
0x3: {  	_ = 	snop  }
0x4: {  	_ = 	snop  }
0x5: {  	_ = 	snop  }
0x6: {  	_ = 	snop  }
0x7: {  	_ = 	snop  }
__scs_overlays_trampoline_lowered:
0x8: {  	[smem:$0x3FAF] =	sst s0  }
0x9: {  	[smem:$0x3FB0] =	sst s1  }
0xa: {  	[smem:$0x3FB1] =	sst s2  }
0xb: {  	[smem:$0x3FB2] =	sst s3  }
0xc: {  	[smem:$0x3FB3] =	sst s4  }
0xd: {  	[smem:$0x3FB4] =	sst s5  }
0xe: {  	[smem:$0x3FB5] =	sst s6  }
0xf: {  	[smem:$0x3FB6] =	sst s7  }
0x10: {  	[smem:$0x3FB7] =	sst s8  }
0x11: {  	[smem:$0x3FB8] =	sst s9;
	s0 =	simm.s32 @!p0 $0x0  }
0x12: {  	s1 =	sld [smem:$0x3F9E];
	s0 =	simm.s32 @p0 $0x1  }
0x13: {  	[smem:$0x3FB9] =	sst s0;
	s0 =	simm.s32 @!p1 $0x0  }
0x14: {  	s2 =	sld [smem:$0x3F9D];
	s0 =	simm.s32 @p1 $0x1  }
0x15: {  	[smem:$0x3FBA] =	sst s0;
	s0 =	simm.s32 @!p2 $0x0  }
0x16: {  	s3 =	sld [smem:$0x3FDB];
	s0 =	simm.s32 @p2 $0x1  }
0x17: {  	s4 =	simm.s32 $0x1BF5;
	[smem:$0x3FBC] =	sst s0  }
0x18: {  	s0 =	sld [smem:$0x3F9F];
	_ =	swait.ge [sflag:s4], $0x0  }
0x19: {  	s7 =	sld [smem:$0x3FA0]  }
0x1a: {  	s8 =	sadd.s32 $0xFFFFE003, lr  }
0x1b: {  	s9 =	sadd.s32 $0xFFFFFEF7, lr;
	s5 =	simm.s32 $0xFFFFFFFF;
	p2 =	slt.u32 s8, $0xFFFFF086  }
0x1c: {  	p1 =	slt.u32 s9, $0xF7A;
	s5 =	simm.s32 @!p2 $0x0  }
0x1d: {  	s5 =	simm.s32 @p1 $0x1;
	p0 =	seq.s32 s7, s2  }
0x1e: {  	s7 =	smul.u32 @!p0 $0xF7A, s2;
	p2 =	seq.s32 @!p0 s5, $0x0  }
0x1f: {  	s9 =	smul.u32 $0xF7A, s1;
	s8 =	simm.s32 @!p0 $0x1BF5;
	p2 =	por !p2, p0  }
0x20: {  	[sflag:s8] =	ssyncset.s32 @!p0 $0xFFFFF086;
	s6 =	sadd.s32 @!p0 s3, s7;
	s7 =	simm.s32 @!p0 $0x108  }
0x21: {  	s3 =	sadd.s32 s3, s9;
	s6 =	sadd.s32 @!p0 $0x88, s6;
	s7 =	simm.s32 @p2 $0x1082  }
0x22: {  	[simem:s7], [sflag:s8] =	dma.local @!p0 [hbm:s6], $0xF7A  }
0x23: {  	s9 =	sor.u32 $0xD0000000, s2;
	s6 =	simm.s32 $0x108;
	_ =	swait.ge @!p0 [sflag:s8], $0x0  }
0x24: {  	s3 =	sadd.s32 $0x88, s3;
	s6 =	simm.s32 @!p1 $0x1082;
	[sflag:s4] =	ssyncset.s32 $0xFFFFF086  }
0x25: {  	[simem:s6], [sflag:s4] =	dma.local [hbm:s3], $0xF7A  }
0x26: {  	[smem:$0x3FA0] =	sst s1;
	(tag) =	ssettag s2;
	_ =	strace s9  }
0x27: {  	s1 =	sld [smem:$0x3FB0]  }
0x28: {  	s2 =	sld [smem:$0x3FB1]  }
0x29: {  	s4 =	sld [smem:$0x3FB3]  }
0x2a: {  	p0 =	seq.s32 s5, $0x0;
	s5 =	sld [smem:$0x3FB4]  }
0x2b: {  	s6 =	sld [smem:$0x3FB5]  }
0x2c: {  	s7 =	sld [smem:$0x3FB6]  }
0x2d: {  	s3 =	simm.s32 $0x108;
	s8 =	sld [smem:$0x3FB7]  }
0x2e: {  	s3 =	simm.s32 @!p0 $0x1082;
	s9 =	sld [smem:$0x3FB8]  }
0x2f: {  	lr =	sadd.s32 s0, s3;
	s0 =	sld [smem:$0x3FAF]  }
0x30: {  	s3 =	sld [smem:$0x3FB2]  }
0x31: {  	[smem:$0x3FBB] =	sst s10  }
0x32: {  	s10 =	sld [smem:$0x3FB9];
	_ =	sdelay $0x3  }
0x33: {  	p0 =	seq.s32 s10, $0x1;
	s10 =	sld [smem:$0x3FBB];
	_ =	sdelay $0x3  }
0x34: {  	[smem:$0x3FBB] =	sst s10  }
0x35: {  	s10 =	sld [smem:$0x3FBA];
	_ =	sdelay $0x3  }
0x36: {  	p1 =	seq.s32 s10, $0x1;
	s10 =	sld [smem:$0x3FBB];
	_ =	sdelay $0x3  }
0x37: {  	[smem:$0x3FBB] =	sst s10  }
0x38: {  	s10 =	sld [smem:$0x3FBC]  }
0x39: {  	_ = 	snop;
	(pc) =	sbr.ind lr, $3  }
0x3a: {  	_ = 	snop  }
0x3b: {  	_ = 	snop  }
0x3c: {  	p2 =	seq.s32 s10, $0x1;
	s10 =	sld [smem:$0x3FBB]  }
0x3d: {  	_ =	shalt  }
0x3e: {  	_ =	shalt  }
0x3f: {  	_ =	shalt  }
0x40: {  	_ =	shalt  }
0x41: {  	_ =	shalt  }
0x42: {  	_ =	shalt  }
0x43: {  	_ =	shalt  }
0x44: {  	_ =	shalt  }
0x45: {  	_ =	shalt  }
0x46: {  	_ =	shalt  }
0x47: {  	_ =	shalt  }
0x48: {  	_ =	shalt  }
0x49: {  	_ =	shalt  }
0x4a: {  	_ =	shalt  }
0x4b: {  	_ =	shalt  }
0x4c: {  	_ =	shalt  }
0x4d: {  	_ =	shalt  }
0x4e: {  	_ =	shalt  }
0x4f: {  	_ =	shalt  }
0x50: {  	_ =	shalt  }
0x51: {  	_ =	shalt  }
0x52: {  	_ =	shalt  }
0x53: {  	_ =	shalt  }
0x54: {  	_ =	shalt  }
0x55: {  	_ =	shalt  }
0x56: {  	_ =	shalt  }
0x57: {  	_ =	shalt  }
0x58: {  	_ =	shalt  }
0x59: {  	_ =	shalt  }
0x5a: {  	_ =	shalt  }
0x5b: {  	_ =	shalt  }
0x5c: {  	_ =	shalt  }
0x5d: {  	_ =	shalt  }
0x5e: {  	_ =	shalt  }
0x5f: {  	_ =	shalt  }
0x60: {  	_ =	shalt  }
0x61: {  	_ =	shalt  }
0x62: {  	_ =	shalt  }
0x63: {  	_ =	shalt  }
0x64: {  	_ =	shalt  }
0x65: {  	_ =	shalt  }
0x66: {  	_ =	shalt  }
0x67: {  	_ =	shalt  }
0x68: {  	_ =	shalt  }
0x69: {  	_ =	shalt  }
0x6a: {  	_ =	shalt  }
0x6b: {  	_ =	shalt  }
0x6c: {  	_ =	shalt  }
0x6d: {  	_ =	shalt  }
0x6e: {  	_ =	shalt  }
0x6f: {  	_ =	shalt  }
0x70: {  	_ =	shalt  }
0x71: {  	_ =	shalt  }
0x72: {  	_ =	shalt  }
0x73: {  	_ =	shalt  }
0x74: {  	_ =	shalt  }
0x75: {  	_ =	shalt  }
0x76: {  	_ =	shalt  }
0x77: {  	_ =	shalt  }
0x78: {  	_ =	shalt  }
0x79: {  	_ =	shalt  }
0x7a: {  	_ =	shalt  }
0x7b: {  	_ =	shalt  }
0x7c: {  	_ =	shalt  }
0x7d: {  	_ =	shalt  }
0x7e: {  	_ =	shalt  }
0x7f: {  	_ =	shalt  }
0x80: {  	_ =	shalt  }
0x81: {  	_ =	shalt  }
0x82: {  	_ =	shalt  }
0x83: {  	_ =	shalt  }
0x84: {  	_ =	shalt  }
0x85: {  	_ =	shalt  }
0x86: {  	_ =	shalt  }
0x87: {  	_ =	shalt  }
.Lfunc_end0:
.L_simem_size_0:
called_computation_lowered:
.L_overlay_start_0:
0x88: {  	s2 =	sld [smem:$0x3FD9]  }
0x89: {  	s3 =	sld [smem:$0x3FFE];
	_ =	sdelay $0x1  }
0x8a: {  	s1 =	srdreg.scid  }
0x8b: {  	s0 =	sand.u32 $0x1, s1  }
0x8c: {  	s16 =	sshll.u32 s0, $0xA;
	s2 =	sadd.s32 s3, s2  }
0x8d: {  	s2 =	sadd.s32 s2, s16  }
0x8e: {  	[smem:$0x3FC7] =	sst s2  }
0x8f: {  	_ = 	snop  }
0x90: {  	(tm) =	ssettm $0x1  }
0x91: {  	s17 =	sld [smem:$0x3FFB];
	_ =	sdelay $0x3  }
0x92: {  	_ =	strace s17  }
0x93: {  	s2 =	sld [smem:$0x3FFC];
	_ =	sdelay $0x3  }
0x94: {  	_ =	strace s2  }
0x95: {  	s2 =	sld [smem:$0x3FFD];
	_ =	sdelay $0x3  }
0x96: {  	_ =	strace s2  }
0x97: {  	_ =	strace $0x8FFFFFFF  }
0x98: {  	s18 =	sld [smem:$0x3FDB];
	_ =	sdelay $0x1  }
0x99: {  	s19 =	simm.s32 $_scs_section_size  }
0x9a: {  	s4 =	simm.s32 $_size__tile_overlayer_lowered;
	s5 =	simm.s32 $_tile_overlayer_lowered  }
0x9b: {  	s22 =	simm.s32 $0x1BFF;
	s21 =	sshll.u32 s5, $0x1;
	s2 =	sadd.s32 s19, s18  }
0x9c: {  	s6 =	simm.s32 $0x0;
	s20 =	sshll.u32 s4, $0x1;
	s4 =	sadd.s32 s21, s2  }
0x9d: {  	[timem:s6], [sflag:s22] =	dma.local [hbm:s4], s20  }
0x9e: {  	_ =	swait.ge [sflag:s22], s20  }
0x9f: {  	s3 =	ssub.s32 $0x0, s20;
	[sflag:s22] =	ssyncset.done $0x0  }
0xa0: {  	[sflag:s22] =	ssyncadd.s32 s3;
	_ =	sdelay $0x1  }
0xa1: {  	s23 =	simm.s32 $0x1B8B  }
0xa2: {  	_ =	swait.ge [sflag:s23], $0x1  }
0xa3: {  	[sflag:s23] =	ssyncset.done $0x0  }
0xa4: {  	s25 =	simm.s32 $0x1B8E;
	s24 =	sld [smem:$0x3FFE];
	[sflag:s23] =	ssyncadd.s32 $0xFFFFFFFF  }
0xa5: {  	s26 =	simm.s32 $execute0_lowered;
	[smem:$0x3FD2] =	sst s25  }
0xa6: {  	s4 =	sshll.u32 s26, $0x1;
	_ =	strace $0x80000046;
	[dreg:$0x1] =	wrdreg $0xFFFFFFFF  }
0xa7: {  	s28 =	simm.s32 $_size_execute0_lowered;
	s2 =	sadd.s32 s2, s4;
	[dreg:$0x0] =	wrdreg $0x0  }
0xa8: {  	s4 =	sshll.u32 s28, $0x1;
	[dreg:$0x2] =	wrdreg s2  }
0xa9: {  	[dreg:$0x3] =	wrdreg s4  }
0xaa: {  	[dreg:$0x4] =	wrdreg $0xC0  }
0xab: {  	_ =	task [dreg:s6], $0x5FFFF  }
0xac: {  	[dreg:$0x1] =	wrdreg $0xFFFFFFFF  }
0xad: {  	[dreg:$0x0] =	wrdreg $0x60  }
0xae: {  	[dreg:$0x2] =	wrdreg s24  }
0xaf: {  	[dreg:$0x3] =	wrdreg $0x9  }
0xb0: {  	_ =	task.clear_ibuf [dreg:s6], $0x4FFFF;
	_ =	strace $0x90000046  }
0xb1: {  	s29 =	simm.s32 $0x9;
	_ =	strace $0x80000048  }
0xb2: {  	_ =	swait.ge [sflag:s29], $0x1  }
0xb3: {  	[sflag:s29] =	ssyncadd.s32 $0xFFFFFFFF  }
0xb4: {  	_ =	strace $0x90000048  }
0xb5: {  	_ =	sfence  }
0xb6: {  	s30 =	sld [smem:$0x0];
	_ =	sdelay $0x2  }
0xb7: {  	s31 =	sshll.u32 s1, $0xD;
	s1 =	sshrl.u32 s1, $0x2  }
0xb8: {  	s3 =	sand.u32 $0x4000, s31;
	s1 =	sadd.s32 s1, s30  }
0xb9: {  	s0 =	sor.u32 s3, s0;
	s1 =	sshll.u32 s1, $0x11  }
0xba: {  	s0 =	sor.u32 s1, s0  }
0xbb: {  	s0 =	sadd.s32 $0x8F2B, s0  }
0xbc: {  	[sflag:s0] =	ssyncadd.remote.s32 $0x1  }
0xbd: {  	_ =	sfence.sel $0xFFFF  }
0xbe: {  	[dreg:$0x0] =	wrdreg $0xFFFFFFFF;
	(pc) =	sbr.abs _section_cstart, $3  }
0xbf: {  	[dreg:$0x1] =	wrdreg $0xFFFFFFFF  }
0xc0: {  	_ =	task.clear_ibuf [dreg:s6], $0x2FFFF;
	_ =	strace $0x9FFFFFFF  }
0xc1: {  	(tm) =	ssettm $0x7FFFFFFF  }
tec
execute0_lowered:
.L_overlay_start_1:
0x0: {  	(tag) =	ssettag $0x1  }
0x1: {  	s1 =	srdreg.scid;
	s0 =	stileid.u32  }
0x2: {  	s3 =	rddreg [dreg:$0x0];
	s8 =	simm.s32 $0x1;
	s9 =	simm.s32 $0x0  }
0x3: {  	s4 =	sand.u32 $0x1, s1;
	s29 =	sshll.u32 s0, $0x5;
	s2 =	sshll.u32 s0, $0xD  }
0x4: {  	s1 =	rddreg [dreg:$0x1];
	s5 =	sshll.u32 s4, $0x4;
	s6 =	sand.u32 $0x60, s29  }
0x5: {  	s7 =	sand.u32 $0x18000, s2;
	s2 =	simm.s32 $0x0;
	s4 =	ssub.s32 $0x2, s4  }
0x6: {  	s5 =	sor.u32 s5, s6;
	[smem:$0x7FF] =	sst s2;
	s30 =	sshrl.u32 s4, $0x1  }
0x7: {  	s6 =	simm.s32 $0x80;
	s5 =	sor.u32 s7, s5;
	_ =	strace $0x80000047  }
0x8: {  	s31 =	ssub.s32 s4, s30;
	s7 =	simm.s32 $0x400;
	s5 =	sadd.s32 s5, s3  }
0x9: {  	v0 =	vimm.f32 $0.0e+00;
	s3 =	sadd.s32 $0x1400, s5;
	s4 =	sadd.s32 $0x21400, s5;
	s5 =	smax.u32 s31, $0x1  }
.LBB2_1:
0xa: {  	[tilespmem:s2], [sflag:$0x1] =	stream.strided.gather [hbm4b:s3+s6], $0x8000, s7, s6, $0x38;
	[tilespmem:$0x8000] =	vst v63  }
0xb: {  	_ =	swait.ge [sflag:s8], $0x8000  }
0xc: {  	[sflag:s8] =	ssyncset.done $0x0  }
0xd: {  	s12 =	simm.s32 $0x0;
	[sflag:s8] =	ssyncadd.s32 $0xFFFF8000  }
0xe: {  	v1 =	vld [tilespmem:s12+$0x70]  }
0xf: {  	v2 =	vld [tilespmem:s12+$0x0]  }
0x10: {  	v4 =	vld [tilespmem:s12+$0x10]  }
0x11: {  	v13 =	vld [tilespmem:s12+$0x20]  }
0x12: {  	v11 =	vld [tilespmem:s12+$0x30]  }
0x13: {  	v3 =	vimm.f32 $-Inf;
	v6 =	vimm.f32 $-Inf;
	v5 =	vld [tilespmem:s12+$0x40]  }
0x14: {  	v7 =	vimm.f32 $-Inf;
	v8 =	vld [tilespmem:s12+$0x50];
	v1 =	vmax.f32 v3, v1;
	v9 =	vmax.f32 v3, v2  }
0x15: {  	s10 =	simm.s32 $0x80;
	s11 =	simm.s32 $0x400;
	v12 =	vld [tilespmem:s12+$0x60];
	v10 =	vmax.f32 v3, v4;
	v4 =	vimm.f32 $-Inf;
	v2 =	vimm.f32 $-Inf  }
.LBB2_2:
0x16: {  	p0 =	sne.s32 s11, $0x1FE00;
	v14 =	vld [tilespmem:s10+$0x70];
	v3 =	vmax.f32 v3, v13  }
0x17: {  	v15 =	vld [tilespmem:s10+$0x0];
	v6 =	vmax.f32 v6, v11  }
0x18: {  	v16 =	vld [tilespmem:s10+$0x10];
	v7 =	vmax.f32 v7, v5  }
.Ltmp0:
0x19: {  	v13 =	vld [tilespmem:s10+$0x20];
	v4 =	vmax.f32 v4, v8;
	(pc) =	sbr.rel @p0 .LBB2_2-.Ltmp0, $4  }
0x1a: {  	v11 =	vld [tilespmem:s10+$0x30];
	v2 =	vmax.f32 v2, v12  }
0x1b: {  	v5 =	vld [tilespmem:s10+$0x40];
	v1 =	vmax.f32 v1, v14  }
0x1c: {  	v9 =	vmax.f32 v9, v15;
	v8 =	vld [tilespmem:s10+$0x50]  }
0x1d: {  	v10 =	vmax.f32 v10, v16;
	v12 =	vld [tilespmem:s10+$0x60];
	s10 =	sshra.s32 s11, $0x2;
	s11 =	sadd.s32 $0x200, s11  }
0x1e: {  	v14 =	vld [tilespmem:s10+$0x0]  }
0x1f: {  	v15 =	vld [tilespmem:s10+$0x10]  }
0x20: {  	v16 =	vld [tilespmem:s10+$0x20]  }
0x21: {  	v17 =	vld [tilespmem:s10+$0x30]  }
0x22: {  	v18 =	vld [tilespmem:s10+$0x40]  }
0x23: {  	v19 =	vld [tilespmem:s10+$0x50]  }
0x24: {  	v3 =	vmax.f32 v3, v13;
	v62 =	vld [tilespmem:s10+$0x60];
	v9 =	vmax.f32 v9, v14;
	v10 =	vmax.f32 v10, v15  }
0x25: {  	v63 =	vld [tilespmem:s10+$0x70];
	v6 =	vmax.f32 v6, v11;
	v3 =	vmax.f32 v3, v16;
	v9 =	vmax.f32 v9, v10  }
0x26: {  	v5 =	vmax.f32 v7, v5;
	v6 =	vmax.f32 v6, v17;
	v3 =	vmax.f32 v9, v3  }
0x27: {  	v4 =	vmax.f32 v4, v8;
	v5 =	vmax.f32 v5, v18;
	v3 =	vmax.f32 v3, v6  }
0x28: {  	v2 =	vmax.f32 v2, v12;
	v4 =	vmax.f32 v4, v19;
	v3 =	vmax.f32 v3, v5  }
0x29: {  	v2 =	vmax.f32 v2, v62;
	v3 =	vmax.f32 v3, v4  }
0x2a: {  	v1 =	vmax.f32 v1, v63;
	v2 =	vmax.f32 v3, v2  }
0x2b: {  	v1 =	vmax.f32 v2, v1  }
0x2c: {  	(v2sf) =	vpush v1, $0x0  }
0x2d: {  	(v2sf) =	vpush v1, $0x1  }
0x2e: {  	(v2sf) =	vpush v1, $0x2  }
0x2f: {  	(v2sf) =	vpush v1, $0x3  }
0x30: {  	(v2sf) =	vpush v1, $0x4  }
0x31: {  	(v2sf) =	vpush v1, $0x5  }
0x32: {  	(v2sf) =	vpush v1, $0x6  }
0x33: {  	(v2sf) =	vpush v1, $0x7  }
0x34: {  	(v2sf) =	vpush v1, $0x8  }
0x35: {  	(v2sf) =	vpush v1, $0x9  }
0x36: {  	(v2sf) =	vpush v1, $0xA  }
0x37: {  	(v2sf) =	vpush v1, $0xB  }
0x38: {  	(v2sf) =	vpush v1, $0xC  }
0x39: {  	(v2sf) =	vpush v1, $0xD  }
0x3a: {  	(v2sf) =	vpush v1, $0xE  }
0x3b: {  	s16 =	spop (v2sf);
	(v2sf) =	vpush v1, $0xF  }
0x3c: {  	s11 =	spop (v2sf)  }
0x3d: {  	s10 =	smax.f32 s16, s11;
	s17 =	spop (v2sf)  }
0x3e: {  	s10 =	smax.f32 s10, s17;
	s18 =	spop (v2sf)  }
0x3f: {  	s10 =	smax.f32 s10, s18;
	s19 =	spop (v2sf)  }
0x40: {  	s10 =	smax.f32 s10, s19;
	s20 =	spop (v2sf)  }
0x41: {  	s10 =	smax.f32 s10, s20;
	s21 =	spop (v2sf)  }
0x42: {  	s10 =	smax.f32 s10, s21;
	s22 =	spop (v2sf)  }
0x43: {  	s10 =	smax.f32 s10, s22;
	s23 =	spop (v2sf)  }
0x44: {  	s10 =	smax.f32 s10, s23;
	s24 =	spop (v2sf)  }
0x45: {  	s10 =	smax.f32 s10, s24;
	s25 =	spop (v2sf)  }
0x46: {  	s10 =	smax.f32 s10, s25;
	s26 =	spop (v2sf)  }
0x47: {  	s10 =	smax.f32 s10, s26;
	s28 =	spop (v2sf)  }
0x48: {  	s10 =	smax.f32 s10, s28;
	s29 =	spop (v2sf)  }
0x49: {  	s10 =	smax.f32 s10, s29;
	s30 =	spop (v2sf)  }
0x4a: {  	s10 =	smax.f32 s10, s30;
	s31 =	spop (v2sf)  }
0x4b: {  	s10 =	smax.f32 s10, s31  }
0x4c: {  	v1 =	vmov s10  }
0x4d: {  	v1 =	vadd.f32 $-1.000000000e+00, v1;
	_ =	sdelay $0x1  }
0x4e: {  	v1 =	vbroadcast v1, $0x0  }
0x4f: {  	s10 =	simm.s32 $0x0  }
.LBB2_4:
0x50: {  	s12 =	simm.s32 $0x0  }
0x51: {  	v2 =	vld [tilespmem:s12+$0x60]  }
0x52: {  	v3 =	vld [tilespmem:s12+$0x70]  }
0x53: {  	v4 =	vld [tilespmem:s12+$0x0]  }
0x54: {  	v5 =	vld [tilespmem:s12+$0x40]  }
0x55: {  	v7 =	vld [tilespmem:s12+$0x20]  }
0x56: {  	v8 =	vld [tilespmem:s12+$0x30]  }
0x57: {  	v10 =	vld [tilespmem:s12+$0x50]  }
0x58: {  	v6 =	vimm.f32 $0.0e+00;
	v13 =	vimm.f32 $0.0e+00;
	v15 =	vimm.f32 $0.0e+00  }
0x59: {  	v14 =	vimm.f32 $0.0e+00;
	v17 =	vimm.f32 $0.0e+00;
	v19 =	vsub.f32 v2, v1  }
0x5a: {  	v21 =	vimm.f32 $0.0e+00;
	v9 =	vsub.f32 v3, v1;
	v23 =	vsub.f32 v5, v1  }
0x5b: {  	v18 =	vimm.f32 $0.0e+00;
	v22 =	vsub.f32 v4, v1;
	v16 =	vsub.f32 v7, v1  }
0x5c: {  	v12 =	vimm.f32 $0.0e+00;
	v11 =	vsub.f32 v8, v1;
	v20 =	vsub.f32 v10, v1  }
0x5d: {  	v24 =	vld [tilespmem:s12+$0x10];
	v10 =	vimm.f32 $0.0e+00;
	v7 =	vimm.f32 $0.0e+00;
	v4 =	vimm.f32 $0.0e+00  }
0x5e: {  	v5 =	vimm.f32 $0.0e+00;
	v8 =	vimm.f32 $0.0e+00;
	vm0 =	vgt.f32 v19, $0.0e+00  }
0x5f: {  	v26 =	vmax.f32 v22, $0.0e+00;
	v2 =	vsel vm0, $0x3F800000, v0;
	vm0 =	vgt.f32 v9, $0.0e+00  }
0x60: {  	v25 =	vmax.f32 v9, $0.0e+00;
	v9 =	vimm.f32 $0.0e+00;
	v3 =	vsel vm0, $0x3F800000, v0  }
0x61: {  	s11 =	simm.s32 $0x200;
	v2 =	vadd.f32 v2, v6;
	vm0 =	vgt.f32 v23, $0.0e+00;
	v3 =	vadd.f32 v3, v6  }
.LBB2_5:
0x62: {  	s12 =	sshra.s32 s11, $0x2;
	p0 =	sne.s32 s11, $0x1FE00;
	s11 =	sadd.s32 $0x200, s11;
	v27 =	vsub.f32 v24, v1;
	v23 =	vmax.f32 v23, $0.0e+00;
	v19 =	vmax.f32 v19, $0.0e+00  }
0x63: {  	vm1 =	vgt.f32 v22, $0.0e+00;
	v28 =	vld [tilespmem:s12+$0x60];
	vm2 =	vgt.f32 v20, $0.0e+00;
	v6 =	vadd.f32 v19, v6  }
0x64: {  	v22 =	vsel vm1, $0x3F800000, v0;
	v13 =	vadd.f32 v23, v13;
	v19 =	vld [tilespmem:s12+$0x70];
	v23 =	vsel vm2, $0x3F800000, v0  }
0x65: {  	v15 =	vadd.f32 v26, v15;
	v10 =	vadd.f32 v25, v10;
	v20 =	vmax.f32 v20, $0.0e+00;
	v24 =	vld [tilespmem:s12+$0x10]  }
0x66: {  	vm1 =	vgt.f32 v11, $0.0e+00;
	v9 =	vadd.f32 v22, v9;
	v14 =	vadd.f32 v20, v14;
	v25 =	vld [tilespmem:s12+$0x0]  }
0x67: {  	v22 =	vmax.f32 v16, $0.0e+00;
	vm2 =	vgt.f32 v16, $0.0e+00;
	v16 =	vsel vm1, $0x3F800000, v0;
	v20 =	vld [tilespmem:s12+$0x40]  }
0x68: {  	v26 =	vsel vm2, $0x3F800000, v0;
	v7 =	vadd.f32 v16, v7;
	v16 =	vsel vm0, $0x3F800000, v0;
	v29 =	vld [tilespmem:s12+$0x30]  }
0x69: {  	vm0 =	vgt.f32 v27, $0.0e+00;
	v17 =	vadd.f32 v22, v17;
	v4 =	vadd.f32 v23, v4;
	v30 =	vld [tilespmem:s12+$0x20]  }
0x6a: {  	v32 =	vsel vm0, $0x3F800000, v0;
	v5 =	vadd.f32 v16, v5;
	v31 =	vsub.f32 v19, v1  }
0x6b: {  	v16 =	vmax.f32 v27, $0.0e+00;
	v8 =	vadd.f32 v26, v8;
	v19 =	vsub.f32 v28, v1  }
0x6c: {  	v11 =	vmax.f32 v11, $0.0e+00;
	v21 =	vadd.f32 v16, v21;
	v23 =	vsub.f32 v20, v1;
	v20 =	vld [tilespmem:s12+$0x50]  }
.Ltmp1:
0x6d: {  	v18 =	vadd.f32 v11, v18;
	v22 =	vsub.f32 v25, v1;
	vm0 =	vgt.f32 v19, $0.0e+00;
	(pc) =	sbr.rel @p0 .LBB2_5-.Ltmp1, $4  }
0x6e: {  	v12 =	vadd.f32 v32, v12;
	v11 =	vsel vm0, $0x3F800000, v0;
	vm0 =	vgt.f32 v31, $0.0e+00  }
0x6f: {  	v2 =	vadd.f32 v11, v2;
	v11 =	vsel vm0, $0x3F800000, v0;
	v16 =	vsub.f32 v30, v1  }
0x70: {  	v26 =	vmax.f32 v22, $0.0e+00;
	vm0 =	vgt.f32 v23, $0.0e+00;
	v3 =	vadd.f32 v11, v3  }
0x71: {  	v25 =	vmax.f32 v31, $0.0e+00;
	v11 =	vsub.f32 v29, v1;
	v20 =	vsub.f32 v20, v1  }
0x72: {  	_ = 	snop  }
0x73: {  	v24 =	vsub.f32 v24, v1;
	_ =	sdelay $0x1  }
0x74: {  	v27 =	vmax.f32 v24, $0.0e+00  }
0x75: {  	v15 =	vadd.f32 v26, v15;
	v21 =	vadd.f32 v27, v21  }
0x76: {  	v54 =	vmax.f32 v16, $0.0e+00  }
0x77: {  	v17 =	vadd.f32 v54, v17;
	v15 =	vadd.f32 v21, v15  }
0x78: {  	v55 =	vmax.f32 v11, $0.0e+00  }
0x79: {  	v18 =	vadd.f32 v55, v18;
	v15 =	vadd.f32 v17, v15  }
0x7a: {  	v56 =	vmax.f32 v23, $0.0e+00  }
0x7b: {  	v13 =	vadd.f32 v56, v13;
	v15 =	vadd.f32 v18, v15  }
0x7c: {  	v57 =	vmax.f32 v20, $0.0e+00  }
0x7d: {  	v14 =	vadd.f32 v57, v14;
	v13 =	vadd.f32 v13, v15  }
0x7e: {  	v58 =	vmax.f32 v19, $0.0e+00  }
0x7f: {  	v6 =	vadd.f32 v58, v6;
	v13 =	vadd.f32 v14, v13;
	_ =	sdelay $0x1  }
0x80: {  	v10 =	vadd.f32 v25, v10;
	v6 =	vadd.f32 v6, v13  }
0x81: {  	vm1 =	vgt.f32 v22, $0.0e+00  }
0x82: {  	v59 =	vsel vm1, $0x3F800000, v0;
	vm13 =	vgt.f32 v24, $0.0e+00;
	v6 =	vadd.f32 v10, v6  }
0x83: {  	vm2 =	vgt.f32 v16, $0.0e+00;
	v9 =	vadd.f32 v59, v9;
	v60 =	vsel vm13, $0x3F800000, v0  }
0x84: {  	v61 =	vsel vm2, $0x3F800000, v0;
	v10 =	vadd.f32 v60, v12;
	(v2sf) =	vpush v6, $0x0  }
0x85: {  	vm14 =	vgt.f32 v11, $0.0e+00;
	v8 =	vadd.f32 v61, v8;
	(v2sf) =	vpush v6, $0x1  }
0x86: {  	v11 =	vsel vm14, $0x3F800000, v0;
	v9 =	vadd.f32 v10, v9;
	(v2sf) =	vpush v6, $0x2  }
0x87: {  	v7 =	vadd.f32 v11, v7;
	(v2sf) =	vpush v6, $0x3  }
0x88: {  	v62 =	vsel vm0, $0x3F800000, v0;
	v8 =	vadd.f32 v8, v9;
	(v2sf) =	vpush v6, $0x4  }
0x89: {  	vm15 =	vgt.f32 v20, $0.0e+00;
	v5 =	vadd.f32 v62, v5;
	(v2sf) =	vpush v6, $0x5  }
0x8a: {  	v63 =	vsel vm15, $0x3F800000, v0;
	v7 =	vadd.f32 v7, v8;
	(v2sf) =	vpush v6, $0x6  }
0x8b: {  	v4 =	vadd.f32 v63, v4;
	(v2sf) =	vpush v6, $0x7  }
0x8c: {  	v5 =	vadd.f32 v5, v7;
	(v2sf) =	vpush v6, $0x8  }
0x8d: {  	(v2sf) =	vpush v6, $0x9  }
0x8e: {  	v4 =	vadd.f32 v4, v5;
	(v2sf) =	vpush v6, $0xA  }
0x8f: {  	(v2sf) =	vpush v6, $0xB  }
0x90: {  	v2 =	vadd.f32 v2, v4;
	(v2sf) =	vpush v6, $0xC  }
0x91: {  	(v2sf) =	vpush v6, $0xD  }
0x92: {  	v2 =	vadd.f32 v3, v2;
	(v2sf) =	vpush v6, $0xE  }
0x93: {  	s11 =	spop (v2sf);
	(v2sf) =	vpush v6, $0xF  }
0x94: {  	s12 =	spop (v2sf);
	(v2sf) =	vpush v2, $0x0  }
0x95: {  	s13 =	spop (v2sf);
	(v2sf) =	vpush v2, $0x1  }
0x96: {  	s14 =	spop (v2sf)  }
0x97: {  	(v2sf) =	vpush v2, $0x2;
	s15 =	spop (v2sf)  }
0x98: {  	s16 =	spop (v2sf)  }
0x99: {  	(v2sf) =	vpush v2, $0x3;
	s17 =	spop (v2sf)  }
0x9a: {  	s18 =	spop (v2sf)  }
0x9b: {  	(v2sf) =	vpush v2, $0x4;
	s19 =	spop (v2sf)  }
0x9c: {  	s20 =	spop (v2sf)  }
0x9d: {  	(v2sf) =	vpush v2, $0x5;
	s21 =	spop (v2sf)  }
0x9e: {  	s22 =	spop (v2sf)  }
0x9f: {  	(v2sf) =	vpush v2, $0x6;
	s23 =	spop (v2sf)  }
0xa0: {  	s24 =	spop (v2sf)  }
0xa1: {  	(v2sf) =	vpush v2, $0x7;
	s25 =	spop (v2sf)  }
0xa2: {  	s26 =	spop (v2sf)  }
0xa3: {  	(v2sf) =	vpush v2, $0x8;
	s28 =	spop (v2sf)  }
0xa4: {  	s29 =	spop (v2sf)  }
0xa5: {  	(v2sf) =	vpush v2, $0x9;
	s28 =	sadd.f32 s29, s28  }
0xa6: {  	s30 =	spop (v2sf)  }
0xa7: {  	(v2sf) =	vpush v2, $0xA;
	s28 =	sadd.f32 s28, s30  }
0xa8: {  	s31 =	spop (v2sf)  }
0xa9: {  	(v2sf) =	vpush v2, $0xB;
	s28 =	sadd.f32 s28, s31  }
0xaa: {  	s30 =	spop (v2sf)  }
0xab: {  	(v2sf) =	vpush v2, $0xC;
	s28 =	sadd.f32 s28, s30  }
0xac: {  	s11 =	sadd.f32 $0.0e+00, s11;
	s31 =	spop (v2sf)  }
0xad: {  	(v2sf) =	vpush v2, $0xD;
	s28 =	sadd.f32 s28, s31  }
0xae: {  	s11 =	sadd.f32 s11, s12;
	s30 =	spop (v2sf)  }
0xaf: {  	(v2sf) =	vpush v2, $0xE;
	s12 =	sadd.f32 s28, s30  }
0xb0: {  	s11 =	sadd.f32 s11, s13;
	s31 =	spop (v2sf)  }
0xb1: {  	(v2sf) =	vpush v2, $0xF;
	s12 =	sadd.f32 s12, s31  }
0xb2: {  	s11 =	sadd.f32 s11, s14;
	s14 =	spop (v2sf)  }
0xb3: {  	s12 =	sadd.f32 s12, s14  }
0xb4: {  	s11 =	sadd.f32 s11, s15;
	s15 =	spop (v2sf)  }
0xb5: {  	s12 =	sadd.f32 s12, s15  }
0xb6: {  	s11 =	sadd.f32 s11, s16;
	s16 =	spop (v2sf)  }
0xb7: {  	s12 =	sadd.f32 s12, s16  }
0xb8: {  	s11 =	sadd.f32 s11, s17;
	s17 =	spop (v2sf)  }
0xb9: {  	s12 =	sadd.f32 s12, s17  }
0xba: {  	s11 =	sadd.f32 s11, s18;
	s28 =	spop (v2sf)  }
0xbb: {  	s12 =	sadd.f32 s12, s28  }
0xbc: {  	s11 =	sadd.f32 s11, s19;
	s29 =	spop (v2sf)  }
0xbd: {  	s12 =	sadd.f32 s12, s29  }
0xbe: {  	s11 =	sadd.f32 s11, s20;
	s30 =	spop (v2sf)  }
0xbf: {  	s12 =	sadd.f32 s12, s30  }
0xc0: {  	s11 =	sadd.f32 s11, s21;
	s31 =	spop (v2sf)  }
0xc1: {  	s12 =	sadd.f32 s12, s31;
	_ =	sdelay $0x1  }
0xc2: {  	s11 =	sadd.f32 s11, s22;
	s12 =	smax.f32 s12, $1.000000000e+00  }
0xc3: {  	v2 =	vmov s12  }
0xc4: {  	s11 =	sadd.f32 s11, s23;
	(erf) = vrcp.f32 v2;
	_ =	sdelay $0x1  }
0xc5: {  	s11 =	sadd.f32 s11, s24;
	_ =	sdelay $0x1  }
0xc6: {  	s11 =	sadd.f32 s11, s25;
	_ =	sdelay $0x1  }
0xc7: {  	s11 =	sadd.f32 s11, s26  }
0xc8: {  	s10 =	sadd.s32 $0x1, s10  }
0xc9: {  	p0 =	sne.s32 s10, $0x8;
	s11 =	sadd.f32 $-1.000000000e+00, s11  }
.Ltmp2:
0xca: {  	v2 =	vpop (erf);
	(pc) =	sbr.rel @p0 .LBB2_4-.Ltmp2, $2  }
0xcb: {  	v2 =	vmul.f32 s11, v2;
	_ =	sdelay $0x1  }
0xcc: {  	v1 =	vadd.f32 v2, v1;
	_ =	sdelay $0x1  }
0xcd: {  	s10 =	simm.s32 $0x0  }
0xce: {  	v3 =	vld [tilespmem:s10+$0x0]  }
0xcf: {  	v7 =	vld [tilespmem:s10+$0x10]  }
0xd0: {  	v6 =	vld [tilespmem:s10+$0x20]  }
0xd1: {  	v5 =	vld [tilespmem:s10+$0x30]  }
0xd2: {  	v4 =	vld [tilespmem:s10+$0x40]  }
0xd3: {  	v2 =	vld [tilespmem:s10+$0x50];
	v8 =	vsub.f32 v3, v1  }
0xd4: {  	s11 =	simm.s32 $0x200;
	v7 =	vsub.f32 v7, v1;
	v3 =	vld [tilespmem:s10+$0x60]  }
.LBB2_8:
0xd5: {  	p0 =	sne.s32 s11, $0x1FE00;
	v8 =	vmax.f32 v8, $0.0e+00;
	v6 =	vsub.f32 v6, v1;
	v9 =	vld [tilespmem:s10+$0x70]  }
0xd6: {  	s12 =	sshra.s32 s11, $0x2;
	[tilespmem:s10+$0x0] =	vst v8;
	v7 =	vmax.f32 v7, $0.0e+00;
	v5 =	vsub.f32 v5, v1  }
0xd7: {  	v8 =	vld [tilespmem:s12+$0x0];
	[tilespmem:s10+$0x10] =	vst v7;
	v6 =	vmax.f32 v6, $0.0e+00;
	v4 =	vsub.f32 v4, v1  }
0xd8: {  	v7 =	vld [tilespmem:s12+$0x10];
	[tilespmem:s10+$0x20] =	vst v6;
	v5 =	vmax.f32 v5, $0.0e+00;
	v2 =	vsub.f32 v2, v1  }
.Ltmp3:
0xd9: {  	v6 =	vld [tilespmem:s12+$0x20];
	[tilespmem:s10+$0x30] =	vst v5;
	v4 =	vmax.f32 v4, $0.0e+00;
	v3 =	vsub.f32 v3, v1;
	(pc) =	sbr.rel @p0 .LBB2_8-.Ltmp3, $4  }
0xda: {  	v5 =	vld [tilespmem:s12+$0x30];
	[tilespmem:s10+$0x40] =	vst v4;
	v2 =	vmax.f32 v2, $0.0e+00;
	v9 =	vsub.f32 v9, v1  }
0xdb: {  	v4 =	vld [tilespmem:s12+$0x40];
	[tilespmem:s10+$0x50] =	vst v2;
	v3 =	vmax.f32 v3, $0.0e+00  }
0xdc: {  	v8 =	vsub.f32 v8, v1;
	v2 =	vld [tilespmem:s12+$0x50];
	[tilespmem:s10+$0x60] =	vst v3;
	v9 =	vmax.f32 v9, $0.0e+00  }
0xdd: {  	s11 =	sadd.s32 $0x200, s11;
	v7 =	vsub.f32 v7, v1;
	v3 =	vld [tilespmem:s12+$0x60];
	[tilespmem:s10+$0x70] =	vst v9;
	s10 =	smov.u32 s12  }
0xde: {  	v8 =	vmax.f32 v8, $0.0e+00;
	v6 =	vsub.f32 v6, v1;
	v9 =	vld [tilespmem:s10+$0x70]  }
0xdf: {  	[tilespmem:s10+$0x0] =	vst v8;
	v7 =	vmax.f32 v7, $0.0e+00;
	v5 =	vsub.f32 v5, v1  }
0xe0: {  	[tilespmem:s10+$0x10] =	vst v7;
	v6 =	vmax.f32 v6, $0.0e+00;
	v4 =	vsub.f32 v4, v1  }
0xe1: {  	[tilespmem:s10+$0x20] =	vst v6;
	v5 =	vmax.f32 v5, $0.0e+00;
	v2 =	vsub.f32 v2, v1  }
0xe2: {  	[tilespmem:s10+$0x30] =	vst v5;
	v4 =	vmax.f32 v4, $0.0e+00;
	v3 =	vsub.f32 v3, v1  }
0xe3: {  	[tilespmem:s10+$0x40] =	vst v4;
	v2 =	vmax.f32 v2, $0.0e+00;
	v1 =	vsub.f32 v9, v1  }
0xe4: {  	s9 =	sadd.s32 $0x1, s9;
	[tilespmem:s10+$0x50] =	vst v2;
	v2 =	vmax.f32 v3, $0.0e+00  }
0xe5: {  	p0 =	sne.s32 s9, s5;
	[tilespmem:s10+$0x60] =	vst v2;
	v1 =	vmax.f32 v1, $0.0e+00  }
.Ltmp4:
0xe6: {  	[tilespmem:s10+$0x70] =	vst v1;
	(pc) =	sbr.rel @p0 .LBB2_1-.Ltmp4, $4  }
0xe7: {  	[hbm4b:s4+s6] =	stream.strided.scatter [tilespmem:s2], [sflag:$0x1], $0x8000, s7, s6, $0x38;
	[tilespmem:$0x8000] =	vst v63  }
0xe8: {  	_ =	swait.ge [sflag:s8], $0x8000  }
0xe9: {  	[sflag:s8] =	ssyncset.done $0x0  }
0xea: {  	[sflag:s8] =	ssyncadd.s32 $0xFFFF8000  }
0xeb: {  	_ =	sfence.sel $0x180000  }
0xec: {  	[bflag:$0x0] =	sbarrier.arrive $0xFFFF  }
0xed: {  	p0 =	sne.s32 s0, $0x0;
	_ =	strace $0x90000047  }
0xee: {  	s0 =	sadd.s32 @!p0 $0x100000, s1;
	[bflag:$0x2] =	sbarrier.arrive $0xFFFF  }
0xef: {  	[sflag:s0] =	ssyncadd.tile.s32 @!p0 $0x1;
	_ =	shalt  }
.Lfunc_end2:
_tile_overlayer_lowered:
.L_overlay_start_2:
0xf0: {  	(tag) =	ssettag $0x2  }
0xf1: {  	s0 =	rddreg [dreg:$0x0];
	s2 =	stileid.u32  }
0xf2: {  	s1 =	rddreg [dreg:$0x1];
	p0 =	sne.s32 s2, $0x0  }
0xf3: {  	s3 =	rddreg [dreg:$0x2];
	[bflag:$0x3] =	sbarrier.arrive $0xFFFF;
	s2 =	simm.s32 @!p0 $0x1C01  }
0xf4: {  	[timem:s3], [sflag:s2] =	dma.local @!p0 [hbm:s0], s1  }
0xf5: {  	s0 =	simm.s32 @!p0 $0x1  }
0xf6: {  	_ =	swait.ge @!p0 [sflag:s0], s1  }
0xf7: {  	s1 =	ssub.s32 @!p0 $0x0, s1;
	[sflag:s0] =	ssyncset.done @!p0 $0x0  }
0xf8: {  	[sflag:s0] =	ssyncadd.s32 @!p0 s1  }
0xf9: {  	[bflag:$0x3] =	sbarrier.arrive $0xFFFF  }
0xfa: {  	_ =	shalt  }

</sc_bundles>
